<compile_context>
chip_gen: v7x
topology: tpu7x:2x2x1
jax: 0.10.2.dev20260603
libtpu: 0.0.44.dev20260713+nightly
codegen_flags: <defaults>
</compile_context>

<pallas_src>
import functools

import jax
import jax.numpy as jnp
from jax import lax
from jax.experimental import pallas as pl
from jax.experimental.pallas import tpu as pltpu
from jax.experimental.pallas import tpu_sc as plsc

_NUM_WORKERS = 32
_LANES = 16


@functools.lru_cache(maxsize=None)
def _make_gather_kernel(B, V, D, chunk=64, nbuf=3, look=2):
  bpw = B // _NUM_WORKERS
  nchunk = bpw // chunk
  mesh = plsc.VectorSubcoreMesh(core_axis_name="c", subcore_axis_name="s")

  @functools.partial(
      pl.kernel,
      mesh=mesh,
      out_type=jax.ShapeDtypeStruct((B, D), jnp.float32),
      scratch_types=[
          pltpu.VMEM((bpw,), jnp.int32),
          pltpu.VMEM((bpw,), jnp.int32),
          pltpu.VMEM((bpw,), jnp.int32),
          [pltpu.VMEM((chunk, D), jnp.float32)] * nbuf,
          [pltpu.SemaphoreType.DMA] * nbuf,
          [pltpu.SemaphoreType.DMA] * nbuf,
      ],
  )
  def gather_kernel(i1_hbm, i2_hbm, table_hbm, out_hbm,
                    i1_v, i2_v, flat_v, bufs, gsems, psems):
    wid = lax.axis_index("s") * 2 + lax.axis_index("c")
    base = wid * bpw

    c1 = pltpu.async_copy(i1_hbm.at[pl.ds(base, bpw)], i1_v, gsems[0])
    c2 = pltpu.async_copy(i2_hbm.at[pl.ds(base, bpw)], i2_v, gsems[1])
    c1.wait()
    c2.wait()

    def compute_flat(t):
      for j in range(t * chunk // _LANES, (t + 1) * chunk // _LANES):
        sl = pl.ds(j * _LANES, _LANES)
        flat_v[sl] = i1_v[sl] * V + i2_v[sl]

    gcopy = [None] * nbuf
    pcopy = [None] * nbuf
    put_waited = [True] * nbuf
    for t in range(nchunk + look):
      if t < nchunk:
        b = t % nbuf
        if not put_waited[b]:
          pcopy[b].wait()
          put_waited[b] = True
        compute_flat(t)
        gcopy[b] = pltpu.async_copy(
            table_hbm.at[flat_v.at[pl.ds(t * chunk, chunk)]],
            bufs[b], gsems[b])
      c = t - look
      if c >= 0:
        b = c % nbuf
        gcopy[b].wait()
        pcopy[b] = pltpu.async_copy(
            bufs[b], out_hbm.at[pl.ds(base + c * chunk, chunk)], psems[b])
        put_waited[b] = False
    for b in range(nbuf):
      if not put_waited[b]:
        pcopy[b].wait()

  return gather_kernel


def kernel(idx, table):
  B = idx.shape[0]
  VV, D = table.shape
  V = int(round(VV ** 0.5))
  idx32 = idx.astype(jnp.int32)
  return _make_gather_kernel(B, V, D)(idx32[:, 0], idx32[:, 1], table)

# --- scband reference (transcript-rebuilt; emitter-appended) ---
"""Pipeline reference for scband-neural-trigram-16423954940319 (READ-ONLY COPY).

The authoritative reference and input builder live on the scoring server;
editing this copy changes nothing except your own understanding.
"""

import jax, jax.numpy as jnp
import numpy as np

VOCAB = 512
BATCH = 16384

def setup_inputs(seed: int = 0) -> dict:
    key = jax.random.key(seed)
    k1, k2 = jax.random.split(key)
    idx = jax.random.randint(k1, (BATCH, 2), 0, VOCAB, dtype=jnp.int64)
    table = jax.random.normal(k2, (VOCAB * VOCAB, VOCAB), dtype=jnp.float32) * 0.02
    return {"idx": idx, "table": table}

def reference(idx, table):
    idx1 = idx[:, 0]
    idx2 = idx[:, 1]
    flat = idx1 * VOCAB + idx2
    logits = jnp.take(table, flat, axis=0)
    return logits

if __name__ == "__main__":
    import jax
    _d = setup_inputs()
    print(jax.jit(kernel)(*tuple(_d.values())))

</pallas_src>

<mosaic_0001>
#map = affine_map<(d0, d1) -> (0)>
#map1 = affine_map<(d0, d1) -> (0, 0)>
module attributes {stable_mosaic.version = 14 : i64} {
  func.func @gather_kernel(%arg0: i32, %arg1: i32, %arg2: memref<16384xi32, #tpu.memory_space<hbm>>, %arg3: memref<16384xi32, #tpu.memory_space<hbm>>, %arg4: memref<262144x512xf32, #tpu.memory_space<hbm>>, %arg5: memref<16384x512xf32, #tpu.memory_space<hbm>>, %arg6: memref<512xi32, #tpu.memory_space<vmem>>, %arg7: memref<512xi32, #tpu.memory_space<vmem>>, %arg8: memref<512xi32, #tpu.memory_space<vmem>>, %arg9: memref<64x512xf32, #tpu.memory_space<vmem>>, %arg10: memref<64x512xf32, #tpu.memory_space<vmem>>, %arg11: memref<64x512xf32, #tpu.memory_space<vmem>>, %arg12: memref<!tpu.dma_semaphore, #tpu.memory_space<semaphore_mem>>, %arg13: memref<!tpu.dma_semaphore, #tpu.memory_space<semaphore_mem>>, %arg14: memref<!tpu.dma_semaphore, #tpu.memory_space<semaphore_mem>>, %arg15: memref<!tpu.dma_semaphore, #tpu.memory_space<semaphore_mem>>, %arg16: memref<!tpu.dma_semaphore, #tpu.memory_space<semaphore_mem>>, %arg17: memref<!tpu.dma_semaphore, #tpu.memory_space<semaphore_mem>>) attributes {dimension_semantics = [#tpu.dimension_semantics<core_parallel>, #tpu.dimension_semantics<subcore_parallel>], iteration_bounds = array<i64: 2, 16>, scalar_prefetch = 0 : i64, scratch_operands = 12 : i64, tpu.core_type = #tpu.core_type<sc_vector_subcore>, window_params = [{transform_indices = #map}, {transform_indices = #map}, {transform_indices = #map1}, {transform_indices = #map1}]} {
    %mul3A = arith.constant 2 : i32
    %mul3A_0 = arith.muli %arg1, %mul3A : i32
    %add3A = arith.addi %mul3A_0, %arg0 : i32
    %mul3A_1 = arith.constant 512 : i32
    %mul3A_2 = arith.muli %add3A, %mul3A_1 : i32
    %dma_start3A = tpu.memref_slice %arg2[%mul3A_2] : memref<16384xi32, #tpu.memory_space<hbm>> -> memref<512xi32, #tpu.memory_space<hbm>>
    %dma_start3A_3 = tpu.memref_slice %arg2[%mul3A_2] : memref<16384xi32, #tpu.memory_space<hbm>> -> memref<512xi32, #tpu.memory_space<hbm>>
    tpu.enqueue_dma source(%dma_start3A_3 : memref<512xi32, #tpu.memory_space<hbm>>) target(%arg6 : memref<512xi32, #tpu.memory_space<vmem>>) target_semaphore(%arg12 : memref<!tpu.dma_semaphore, #tpu.memory_space<semaphore_mem>>)
    %dma_start3A_4 = tpu.memref_slice %arg3[%mul3A_2] : memref<16384xi32, #tpu.memory_space<hbm>> -> memref<512xi32, #tpu.memory_space<hbm>>
    %dma_start3A_5 = tpu.memref_slice %arg3[%mul3A_2] : memref<16384xi32, #tpu.memory_space<hbm>> -> memref<512xi32, #tpu.memory_space<hbm>>
    tpu.enqueue_dma source(%dma_start3A_5 : memref<512xi32, #tpu.memory_space<hbm>>) target(%arg7 : memref<512xi32, #tpu.memory_space<vmem>>) target_semaphore(%arg13 : memref<!tpu.dma_semaphore, #tpu.memory_space<semaphore_mem>>)
    %dma_wait3A = tpu.memref_slice %arg2[%mul3A_2] : memref<16384xi32, #tpu.memory_space<hbm>> -> memref<512xi32, #tpu.memory_space<hbm>>
    %dma_wait3A_6 = tpu.memref_slice %arg2[%mul3A_2] : memref<16384xi32, #tpu.memory_space<hbm>> -> memref<512xi32, #tpu.memory_space<hbm>>
    tpu.wait_dma2 semaphore(%arg12 : memref<!tpu.dma_semaphore, #tpu.memory_space<semaphore_mem>>) src(%dma_wait3A_6 : memref<512xi32, #tpu.memory_space<hbm>>) dst(%arg6 : memref<512xi32, #tpu.memory_space<vmem>>)
    %dma_wait3A_7 = tpu.memref_slice %arg3[%mul3A_2] : memref<16384xi32, #tpu.memory_space<hbm>> -> memref<512xi32, #tpu.memory_space<hbm>>
    %dma_wait3A_8 = tpu.memref_slice %arg3[%mul3A_2] : memref<16384xi32, #tpu.memory_space<hbm>> -> memref<512xi32, #tpu.memory_space<hbm>>
    tpu.wait_dma2 semaphore(%arg13 : memref<!tpu.dma_semaphore, #tpu.memory_space<semaphore_mem>>) src(%dma_wait3A_8 : memref<512xi32, #tpu.memory_space<hbm>>) dst(%arg7 : memref<512xi32, #tpu.memory_space<vmem>>)
    %get3A = arith.constant 0 : index
    %get3A_9 = tpu.vector_load %arg6[%get3A] {strides = array<i32>} : memref<512xi32, #tpu.memory_space<vmem>>, vector<16xi32>,
    %get3A_10 = vector.shape_cast %get3A_9 : vector<16xi32> to vector<16xi32>
    %mul3A_11 = arith.constant 512 : i32
    %mul3A_12 = vector.broadcast %mul3A_11 : i32 to vector<16xi32>
    %mul3A_13 = arith.muli %get3A_10, %mul3A_12 : vector<16xi32>
    %get3A_14 = arith.constant 0 : index
    %get3A_15 = tpu.vector_load %arg7[%get3A_14] {strides = array<i32>} : memref<512xi32, #tpu.memory_space<vmem>>, vector<16xi32>,
    %get3A_16 = vector.shape_cast %get3A_15 : vector<16xi32> to vector<16xi32>
    %add3A_17 = arith.addi %mul3A_13, %get3A_16 : vector<16xi32>
    %swap3A = arith.constant 0 : index
    %swap3A_18 = tpu.vector_load %arg8[%swap3A] {strides = array<i32>} : memref<512xi32, #tpu.memory_space<vmem>>, vector<16xi32>,
    %swap3A_19 = vector.shape_cast %swap3A_18 : vector<16xi32> to vector<16xi32>
    %swap3A_20 = vector.shape_cast %add3A_17 : vector<16xi32> to vector<16xi32>
    tpu.vector_store %arg8[%swap3A], %swap3A_20 {strides = array<i32>} : memref<512xi32, #tpu.memory_space<vmem>>, vector<16xi32>,
    %get3A_21 = arith.constant 16 : index
    %get3A_22 = tpu.vector_load %arg6[%get3A_21] {strides = array<i32>} : memref<512xi32, #tpu.memory_space<vmem>>, vector<16xi32>,
    %get3A_23 = vector.shape_cast %get3A_22 : vector<16xi32> to vector<16xi32>
    %mul3A_24 = arith.constant 512 : i32
    %mul3A_25 = vector.broadcast %mul3A_24 : i32 to vector<16xi32>
    %mul3A_26 = arith.muli %get3A_23, %mul3A_25 : vector<16xi32>
    %get3A_27 = arith.constant 16 : index
    %get3A_28 = tpu.vector_load %arg7[%get3A_27] {strides = array<i32>} : memref<512xi32, #tpu.memory_space<vmem>>, vector<16xi32>,
    %get3A_29 = vector.shape_cast %get3A_28 : vector<16xi32> to vector<16xi32>
    %add3A_30 = arith.addi %mul3A_26, %get3A_29 : vector<16xi32>
    %swap3A_31 = arith.constant 16 : index
    %swap3A_32 = tpu.vector_load %arg8[%swap3A_31] {strides = array<i32>} : memref<512xi32, #tpu.memory_space<vmem>>, vector<16xi32>,
    %swap3A_33 = vector.shape_cast %swap3A_32 : vector<16xi32> to vector<16xi32>
    %swap3A_34 = vector.shape_cast %add3A_30 : vector<16xi32> to vector<16xi32>
    tpu.vector_store %arg8[%swap3A_31], %swap3A_34 {strides = array<i32>} : memref<512xi32, #tpu.memory_space<vmem>>, vector<16xi32>,
    %get3A_35 = arith.constant 32 : index
    %get3A_36 = tpu.vector_load %arg6[%get3A_35] {strides = array<i32>} : memref<512xi32, #tpu.memory_space<vmem>>, vector<16xi32>,
    %get3A_37 = vector.shape_cast %get3A_36 : vector<16xi32> to vector<16xi32>
    %mul3A_38 = arith.constant 512 : i32
    %mul3A_39 = vector.broadcast %mul3A_38 : i32 to vector<16xi32>
    %mul3A_40 = arith.muli %get3A_37, %mul3A_39 : vector<16xi32>
    %get3A_41 = arith.constant 32 : index
    %get3A_42 = tpu.vector_load %arg7[%get3A_41] {strides = array<i32>} : memref<512xi32, #tpu.memory_space<vmem>>, vector<16xi32>,
    %get3A_43 = vector.shape_cast %get3A_42 : vector<16xi32> to vector<16xi32>
    %add3A_44 = arith.addi %mul3A_40, %get3A_43 : vector<16xi32>
    %swap3A_45 = arith.constant 32 : index
    %swap3A_46 = tpu.vector_load %arg8[%swap3A_45] {strides = array<i32>} : memref<512xi32, #tpu.memory_space<vmem>>, vector<16xi32>,
    %swap3A_47 = vector.shape_cast %swap3A_46 : vector<16xi32> to vector<16xi32>
    %swap3A_48 = vector.shape_cast %add3A_44 : vector<16xi32> to vector<16xi32>
    tpu.vector_store %arg8[%swap3A_45], %swap3A_48 {strides = array<i32>} : memref<512xi32, #tpu.memory_space<vmem>>, vector<16xi32>,
    %get3A_49 = arith.constant 48 : index
    %get3A_50 = tpu.vector_load %arg6[%get3A_49] {strides = array<i32>} : memref<512xi32, #tpu.memory_space<vmem>>, vector<16xi32>,
    %get3A_51 = vector.shape_cast %get3A_50 : vector<16xi32> to vector<16xi32>
    %mul3A_52 = arith.constant 512 : i32
    %mul3A_53 = vector.broadcast %mul3A_52 : i32 to vector<16xi32>
    %mul3A_54 = arith.muli %get3A_51, %mul3A_53 : vector<16xi32>
    %get3A_55 = arith.constant 48 : index
    %get3A_56 = tpu.vector_load %arg7[%get3A_55] {strides = array<i32>} : memref<512xi32, #tpu.memory_space<vmem>>, vector<16xi32>,
    %get3A_57 = vector.shape_cast %get3A_56 : vector<16xi32> to vector<16xi32>
    %add3A_58 = arith.addi %mul3A_54, %get3A_57 : vector<16xi32>
    %swap3A_59 = arith.constant 48 : index
    %swap3A_60 = tpu.vector_load %arg8[%swap3A_59] {strides = array<i32>} : memref<512xi32, #tpu.memory_space<vmem>>, vector<16xi32>,
    %swap3A_61 = vector.shape_cast %swap3A_60 : vector<16xi32> to vector<16xi32>
    %swap3A_62 = vector.shape_cast %add3A_58 : vector<16xi32> to vector<16xi32>
    tpu.vector_store %arg8[%swap3A_59], %swap3A_62 {strides = array<i32>} : memref<512xi32, #tpu.memory_space<vmem>>, vector<16xi32>,
    %dma_start3A_63 = arith.constant 0 : i32
    %dma_start3A_64 = tpu.memref_slice %arg8[%dma_start3A_63] : memref<512xi32, #tpu.memory_space<vmem>> -> memref<64xi32, #tpu.memory_space<vmem>>
    %dma_start3A_65 = arith.constant 0 : i32
    %dma_start3A_66 = arith.constant 0 : i32
    %dma_start3A_67 = tpu.memref_slice %arg4[%dma_start3A_65, %dma_start3A_66] : memref<262144x512xf32, #tpu.memory_space<hbm>> -> memref<262144x512xf32, #tpu.memory_space<hbm>>
    tpu.enqueue_indirect_dma source(%dma_start3A_67 : memref<262144x512xf32, #tpu.memory_space<hbm>>) target(%arg9 : memref<64x512xf32, #tpu.memory_space<vmem>>) offsets(%dma_start3A_64 : memref<64xi32, #tpu.memory_space<vmem>>) semaphore(%arg12 : memref<!tpu.dma_semaphore, #tpu.memory_space<semaphore_mem>>)
    %get3A_68 = arith.constant 64 : index
    %get3A_69 = tpu.vector_load %arg6[%get3A_68] {strides = array<i32>} : memref<512xi32, #tpu.memory_space<vmem>>, vector<16xi32>,
    %get3A_70 = vector.shape_cast %get3A_69 : vector<16xi32> to vector<16xi32>
    %mul3A_71 = arith.constant 512 : i32
    %mul3A_72 = vector.broadcast %mul3A_71 : i32 to vector<16xi32>
    %mul3A_73 = arith.muli %get3A_70, %mul3A_72 : vector<16xi32>
    %get3A_74 = arith.constant 64 : index
    %get3A_75 = tpu.vector_load %arg7[%get3A_74] {strides = array<i32>} : memref<512xi32, #tpu.memory_space<vmem>>, vector<16xi32>,
    %get3A_76 = vector.shape_cast %get3A_75 : vector<16xi32> to vector<16xi32>
    %add3A_77 = arith.addi %mul3A_73, %get3A_76 : vector<16xi32>
    %swap3A_78 = arith.constant 64 : index
    %swap3A_79 = tpu.vector_load %arg8[%swap3A_78] {strides = array<i32>} : memref<512xi32, #tpu.memory_space<vmem>>, vector<16xi32>,
    %swap3A_80 = vector.shape_cast %swap3A_79 : vector<16xi32> to vector<16xi32>
    %swap3A_81 = vector.shape_cast %add3A_77 : vector<16xi32> to vector<16xi32>
    tpu.vector_store %arg8[%swap3A_78], %swap3A_81 {strides = array<i32>} : memref<512xi32, #tpu.memory_space<vmem>>, vector<16xi32>,
    %get3A_82 = arith.constant 80 : index
    %get3A_83 = tpu.vector_load %arg6[%get3A_82] {strides = array<i32>} : memref<512xi32, #tpu.memory_space<vmem>>, vector<16xi32>,
    %get3A_84 = vector.shape_cast %get3A_83 : vector<16xi32> to vector<16xi32>
    %mul3A_85 = arith.constant 512 : i32
    %mul3A_86 = vector.broadcast %mul3A_85 : i32 to vector<16xi32>
    %mul3A_87 = arith.muli %get3A_84, %mul3A_86 : vector<16xi32>
    %get3A_88 = arith.constant 80 : index
    %get3A_89 = tpu.vector_load %arg7[%get3A_88] {strides = array<i32>} : memref<512xi32, #tpu.memory_space<vmem>>, vector<16xi32>,
    %get3A_90 = vector.shape_cast %get3A_89 : vector<16xi32> to vector<16xi32>
    %add3A_91 = arith.addi %mul3A_87, %get3A_90 : vector<16xi32>
    %swap3A_92 = arith.constant 80 : index
    %swap3A_93 = tpu.vector_load %arg8[%swap3A_92] {strides = array<i32>} : memref<512xi32, #tpu.memory_space<vmem>>, vector<16xi32>,
    %swap3A_94 = vector.shape_cast %swap3A_93 : vector<16xi32> to vector<16xi32>
    %swap3A_95 = vector.shape_cast %add3A_91 : vector<16xi32> to vector<16xi32>
    tpu.vector_store %arg8[%swap3A_92], %swap3A_95 {strides = array<i32>} : memref<512xi32, #tpu.memory_space<vmem>>, vector<16xi32>,
    %get3A_96 = arith.constant 96 : index
    %get3A_97 = tpu.vector_load %arg6[%get3A_96] {strides = array<i32>} : memref<512xi32, #tpu.memory_space<vmem>>, vector<16xi32>,
    %get3A_98 = vector.shape_cast %get3A_97 : vector<16xi32> to vector<16xi32>
    %mul3A_99 = arith.constant 512 : i32
    %mul3A_100 = vector.broadcast %mul3A_99 : i32 to vector<16xi32>
    %mul3A_101 = arith.muli %get3A_98, %mul3A_100 : vector<16xi32>
    %get3A_102 = arith.constant 96 : index
    %get3A_103 = tpu.vector_load %arg7[%get3A_102] {strides = array<i32>} : memref<512xi32, #tpu.memory_space<vmem>>, vector<16xi32>,
    %get3A_104 = vector.shape_cast %get3A_103 : vector<16xi32> to vector<16xi32>
    %add3A_105 = arith.addi %mul3A_101, %get3A_104 : vector<16xi32>
    %swap3A_106 = arith.constant 96 : index
    %swap3A_107 = tpu.vector_load %arg8[%swap3A_106] {strides = array<i32>} : memref<512xi32, #tpu.memory_space<vmem>>, vector<16xi32>,
    %swap3A_108 = vector.shape_cast %swap3A_107 : vector<16xi32> to vector<16xi32>
    %swap3A_109 = vector.shape_cast %add3A_105 : vector<16xi32> to vector<16xi32>
    tpu.vector_store %arg8[%swap3A_106], %swap3A_109 {strides = array<i32>} : memref<512xi32, #tpu.memory_space<vmem>>, vector<16xi32>,
    %get3A_110 = arith.constant 112 : index
    %get3A_111 = tpu.vector_load %arg6[%get3A_110] {strides = array<i32>} : memref<512xi32, #tpu.memory_space<vmem>>, vector<16xi32>,
    %get3A_112 = vector.shape_cast %get3A_111 : vector<16xi32> to vector<16xi32>
    %mul3A_113 = arith.constant 512 : i32
    %mul3A_114 = vector.broadcast %mul3A_113 : i32 to vector<16xi32>
    %mul3A_115 = arith.muli %get3A_112, %mul3A_114 : vector<16xi32>
    %get3A_116 = arith.constant 112 : index
    %get3A_117 = tpu.vector_load %arg7[%get3A_116] {strides = array<i32>} : memref<512xi32, #tpu.memory_space<vmem>>, vector<16xi32>,
    %get3A_118 = vector.shape_cast %get3A_117 : vector<16xi32> to vector<16xi32>
    %add3A_119 = arith.addi %mul3A_115, %get3A_118 : vector<16xi32>
    %swap3A_120 = arith.constant 112 : index
    %swap3A_121 = tpu.vector_load %arg8[%swap3A_120] {strides = array<i32>} : memref<512xi32, #tpu.memory_space<vmem>>, vector<16xi32>,
    %swap3A_122 = vector.shape_cast %swap3A_121 : vector<16xi32> to vector<16xi32>
    %swap3A_123 = vector.shape_cast %add3A_119 : vector<16xi32> to vector<16xi32>
    tpu.vector_store %arg8[%swap3A_120], %swap3A_123 {strides = array<i32>} : memref<512xi32, #tpu.memory_space<vmem>>, vector<16xi32>,
    %dma_start3A_124 = arith.constant 64 : i32
    %dma_start3A_125 = tpu.memref_slice %arg8[%dma_start3A_124] : memref<512xi32, #tpu.memory_space<vmem>> -> memref<64xi32, #tpu.memory_space<vmem>>
    %dma_start3A_126 = arith.constant 0 : i32
    %dma_start3A_127 = arith.constant 0 : i32
    %dma_start3A_128 = tpu.memref_slice %arg4[%dma_start3A_126, %dma_start3A_127] : memref<262144x512xf32, #tpu.memory_space<hbm>> -> memref<262144x512xf32, #tpu.memory_space<hbm>>
    tpu.enqueue_indirect_dma source(%dma_start3A_128 : memref<262144x512xf32, #tpu.memory_space<hbm>>) target(%arg10 : memref<64x512xf32, #tpu.memory_space<vmem>>) offsets(%dma_start3A_125 : memref<64xi32, #tpu.memory_space<vmem>>) semaphore(%arg13 : memref<!tpu.dma_semaphore, #tpu.memory_space<semaphore_mem>>)
    %get3A_129 = arith.constant 128 : index
    %get3A_130 = tpu.vector_load %arg6[%get3A_129] {strides = array<i32>} : memref<512xi32, #tpu.memory_space<vmem>>, vector<16xi32>,
    %get3A_131 = vector.shape_cast %get3A_130 : vector<16xi32> to vector<16xi32>
    %mul3A_132 = arith.constant 512 : i32
    %mul3A_133 = vector.broadcast %mul3A_132 : i32 to vector<16xi32>
    %mul3A_134 = arith.muli %get3A_131, %mul3A_133 : vector<16xi32>
    %get3A_135 = arith.constant 128 : index
    %get3A_136 = tpu.vector_load %arg7[%get3A_135] {strides = array<i32>} : memref<512xi32, #tpu.memory_space<vmem>>, vector<16xi32>,
    %get3A_137 = vector.shape_cast %get3A_136 : vector<16xi32> to vector<16xi32>
    %add3A_138 = arith.addi %mul3A_134, %get3A_137 : vector<16xi32>
    %swap3A_139 = arith.constant 128 : index
    %swap3A_140 = tpu.vector_load %arg8[%swap3A_139] {strides = array<i32>} : memref<512xi32, #tpu.memory_space<vmem>>, vector<16xi32>,
    %swap3A_141 = vector.shape_cast %swap3A_140 : vector<16xi32> to vector<16xi32>
    %swap3A_142 = vector.shape_cast %add3A_138 : vector<16xi32> to vector<16xi32>
    tpu.vector_store %arg8[%swap3A_139], %swap3A_142 {strides = array<i32>} : memref<512xi32, #tpu.memory_space<vmem>>, vector<16xi32>,
    %get3A_143 = arith.constant 144 : index
    %get3A_144 = tpu.vector_load %arg6[%get3A_143] {strides = array<i32>} : memref<512xi32, #tpu.memory_space<vmem>>, vector<16xi32>,
    %get3A_145 = vector.shape_cast %get3A_144 : vector<16xi32> to vector<16xi32>
    %mul3A_146 = arith.constant 512 : i32
    %mul3A_147 = vector.broadcast %mul3A_146 : i32 to vector<16xi32>
    %mul3A_148 = arith.muli %get3A_145, %mul3A_147 : vector<16xi32>
    %get3A_149 = arith.constant 144 : index
    %get3A_150 = tpu.vector_load %arg7[%get3A_149] {strides = array<i32>} : memref<512xi32, #tpu.memory_space<vmem>>, vector<16xi32>,
    %get3A_151 = vector.shape_cast %get3A_150 : vector<16xi32> to vector<16xi32>
    %add3A_152 = arith.addi %mul3A_148, %get3A_151 : vector<16xi32>
    %swap3A_153 = arith.constant 144 : index
    %swap3A_154 = tpu.vector_load %arg8[%swap3A_153] {strides = array<i32>} : memref<512xi32, #tpu.memory_space<vmem>>, vector<16xi32>,
    %swap3A_155 = vector.shape_cast %swap3A_154 : vector<16xi32> to vector<16xi32>
    %swap3A_156 = vector.shape_cast %add3A_152 : vector<16xi32> to vector<16xi32>
    tpu.vector_store %arg8[%swap3A_153], %swap3A_156 {strides = array<i32>} : memref<512xi32, #tpu.memory_space<vmem>>, vector<16xi32>,
    %get3A_157 = arith.constant 160 : index
    %get3A_158 = tpu.vector_load %arg6[%get3A_157] {strides = array<i32>} : memref<512xi32, #tpu.memory_space<vmem>>, vector<16xi32>,
    %get3A_159 = vector.shape_cast %get3A_158 : vector<16xi32> to vector<16xi32>
    %mul3A_160 = arith.constant 512 : i32
    %mul3A_161 = vector.broadcast %mul3A_160 : i32 to vector<16xi32>
    %mul3A_162 = arith.muli %get3A_159, %mul3A_161 : vector<16xi32>
    %get3A_163 = arith.constant 160 : index
    %get3A_164 = tpu.vector_load %arg7[%get3A_163] {strides = array<i32>} : memref<512xi32, #tpu.memory_space<vmem>>, vector<16xi32>,
    %get3A_165 = vector.shape_cast %get3A_164 : vector<16xi32> to vector<16xi32>
    %add3A_166 = arith.addi %mul3A_162, %get3A_165 : vector<16xi32>
    %swap3A_167 = arith.constant 160 : index
    %swap3A_168 = tpu.vector_load %arg8[%swap3A_167] {strides = array<i32>} : memref<512xi32, #tpu.memory_space<vmem>>, vector<16xi32>,
    %swap3A_169 = vector.shape_cast %swap3A_168 : vector<16xi32> to vector<16xi32>
    %swap3A_170 = vector.shape_cast %add3A_166 : vector<16xi32> to vector<16xi32>
    tpu.vector_store %arg8[%swap3A_167], %swap3A_170 {strides = array<i32>} : memref<512xi32, #tpu.memory_space<vmem>>, vector<16xi32>,
    %get3A_171 = arith.constant 176 : index
    %get3A_172 = tpu.vector_load %arg6[%get3A_171] {strides = array<i32>} : memref<512xi32, #tpu.memory_space<vmem>>, vector<16xi32>,
    %get3A_173 = vector.shape_cast %get3A_172 : vector<16xi32> to vector<16xi32>
    %mul3A_174 = arith.constant 512 : i32
    %mul3A_175 = vector.broadcast %mul3A_174 : i32 to vector<16xi32>
    %mul3A_176 = arith.muli %get3A_173, %mul3A_175 : vector<16xi32>
    %get3A_177 = arith.constant 176 : index
    %get3A_178 = tpu.vector_load %arg7[%get3A_177] {strides = array<i32>} : memref<512xi32, #tpu.memory_space<vmem>>, vector<16xi32>,
    %get3A_179 = vector.shape_cast %get3A_178 : vector<16xi32> to vector<16xi32>
    %add3A_180 = arith.addi %mul3A_176, %get3A_179 : vector<16xi32>
    %swap3A_181 = arith.constant 176 : index
    %swap3A_182 = tpu.vector_load %arg8[%swap3A_181] {strides = array<i32>} : memref<512xi32, #tpu.memory_space<vmem>>, vector<16xi32>,
    %swap3A_183 = vector.shape_cast %swap3A_182 : vector<16xi32> to vector<16xi32>
    %swap3A_184 = vector.shape_cast %add3A_180 : vector<16xi32> to vector<16xi32>
    tpu.vector_store %arg8[%swap3A_181], %swap3A_184 {strides = array<i32>} : memref<512xi32, #tpu.memory_space<vmem>>, vector<16xi32>,
    %dma_start3A_185 = arith.constant 128 : i32
    %dma_start3A_186 = tpu.memref_slice %arg8[%dma_start3A_185] : memref<512xi32, #tpu.memory_space<vmem>> -> memref<64xi32, #tpu.memory_space<vmem>>
    %dma_start3A_187 = arith.constant 0 : i32
    %dma_start3A_188 = arith.constant 0 : i32
    %dma_start3A_189 = tpu.memref_slice %arg4[%dma_start3A_187, %dma_start3A_188] : memref<262144x512xf32, #tpu.memory_space<hbm>> -> memref<262144x512xf32, #tpu.memory_space<hbm>>
    tpu.enqueue_indirect_dma source(%dma_start3A_189 : memref<262144x512xf32, #tpu.memory_space<hbm>>) target(%arg11 : memref<64x512xf32, #tpu.memory_space<vmem>>) offsets(%dma_start3A_186 : memref<64xi32, #tpu.memory_space<vmem>>) semaphore(%arg14 : memref<!tpu.dma_semaphore, #tpu.memory_space<semaphore_mem>>)
    %dma_wait3A_190 = arith.constant 0 : i32
    %dma_wait3A_191 = tpu.memref_slice %arg8[%dma_wait3A_190] : memref<512xi32, #tpu.memory_space<vmem>> -> memref<64xi32, #tpu.memory_space<vmem>>
    %dma_wait3A_192 = arith.constant 0 : i32
    %dma_wait3A_193 = arith.constant 0 : i32
    %dma_wait3A_194 = tpu.memref_slice %arg4[%dma_wait3A_192, %dma_wait3A_193] : memref<262144x512xf32, #tpu.memory_space<hbm>> -> memref<262144x512xf32, #tpu.memory_space<hbm>>
    tpu.wait_indirect_dma semaphore(%arg12 : memref<!tpu.dma_semaphore, #tpu.memory_space<semaphore_mem>>) src(%dma_wait3A_194 : memref<262144x512xf32, #tpu.memory_space<hbm>>) dst(%arg9 : memref<64x512xf32, #tpu.memory_space<vmem>>)
    %add3A_195 = arith.constant 0 : i32
    %add3A_196 = arith.addi %mul3A_2, %add3A_195 : i32
    %dma_start3A_197 = arith.constant 0 : i32
    %dma_start3A_198 = tpu.memref_slice %arg5[%add3A_196, %dma_start3A_197] : memref<16384x512xf32, #tpu.memory_space<hbm>> -> memref<64x512xf32, #tpu.memory_space<hbm>>
    %dma_start3A_199 = arith.constant 0 : i32
    %dma_start3A_200 = tpu.memref_slice %arg5[%add3A_196, %dma_start3A_199] : memref<16384x512xf32, #tpu.memory_space<hbm>> -> memref<64x512xf32, #tpu.memory_space<hbm>>
    tpu.enqueue_dma source(%arg9 : memref<64x512xf32, #tpu.memory_space<vmem>>) target(%dma_start3A_200 : memref<64x512xf32, #tpu.memory_space<hbm>>) target_semaphore(%arg15 : memref<!tpu.dma_semaphore, #tpu.memory_space<semaphore_mem>>)
    %dma_wait3A_201 = arith.constant 0 : i32
    %dma_wait3A_202 = tpu.memref_slice %arg5[%add3A_196, %dma_wait3A_201] : memref<16384x512xf32, #tpu.memory_space<hbm>> -> memref<64x512xf32, #tpu.memory_space<hbm>>
    %dma_wait3A_203 = arith.constant 0 : i32
    %dma_wait3A_204 = tpu.memref_slice %arg5[%add3A_196, %dma_wait3A_203] : memref<16384x512xf32, #tpu.memory_space<hbm>> -> memref<64x512xf32, #tpu.memory_space<hbm>>
    tpu.wait_dma2 semaphore(%arg15 : memref<!tpu.dma_semaphore, #tpu.memory_space<semaphore_mem>>) src(%arg9 : memref<64x512xf32, #tpu.memory_space<vmem>>) dst(%dma_wait3A_204 : memref<64x512xf32, #tpu.memory_space<hbm>>)
    %get3A_205 = arith.constant 192 : index
    %get3A_206 = tpu.vector_load %arg6[%get3A_205] {strides = array<i32>} : memref<512xi32, #tpu.memory_space<vmem>>, vector<16xi32>,
    %get3A_207 = vector.shape_cast %get3A_206 : vector<16xi32> to vector<16xi32>
    %mul3A_208 = arith.constant 512 : i32
    %mul3A_209 = vector.broadcast %mul3A_208 : i32 to vector<16xi32>
    %mul3A_210 = arith.muli %get3A_207, %mul3A_209 : vector<16xi32>
    %get3A_211 = arith.constant 192 : index
    %get3A_212 = tpu.vector_load %arg7[%get3A_211] {strides = array<i32>} : memref<512xi32, #tpu.memory_space<vmem>>, vector<16xi32>,
    %get3A_213 = vector.shape_cast %get3A_212 : vector<16xi32> to vector<16xi32>
    %add3A_214 = arith.addi %mul3A_210, %get3A_213 : vector<16xi32>
    %swap3A_215 = arith.constant 192 : index
    %swap3A_216 = tpu.vector_load %arg8[%swap3A_215] {strides = array<i32>} : memref<512xi32, #tpu.memory_space<vmem>>, vector<16xi32>,
    %swap3A_217 = vector.shape_cast %swap3A_216 : vector<16xi32> to vector<16xi32>
    %swap3A_218 = vector.shape_cast %add3A_214 : vector<16xi32> to vector<16xi32>
    tpu.vector_store %arg8[%swap3A_215], %swap3A_218 {strides = array<i32>} : memref<512xi32, #tpu.memory_space<vmem>>, vector<16xi32>,
    %get3A_219 = arith.constant 208 : index
    %get3A_220 = tpu.vector_load %arg6[%get3A_219] {strides = array<i32>} : memref<512xi32, #tpu.memory_space<vmem>>, vector<16xi32>,
    %get3A_221 = vector.shape_cast %get3A_220 : vector<16xi32> to vector<16xi32>
    %mul3A_222 = arith.constant 512 : i32
    %mul3A_223 = vector.broadcast %mul3A_222 : i32 to vector<16xi32>
    %mul3A_224 = arith.muli %get3A_221, %mul3A_223 : vector<16xi32>
    %get3A_225 = arith.constant 208 : index
    %get3A_226 = tpu.vector_load %arg7[%get3A_225] {strides = array<i32>} : memref<512xi32, #tpu.memory_space<vmem>>, vector<16xi32>,
    %get3A_227 = vector.shape_cast %get3A_226 : vector<16xi32> to vector<16xi32>
    %add3A_228 = arith.addi %mul3A_224, %get3A_227 : vector<16xi32>
    %swap3A_229 = arith.constant 208 : index
    %swap3A_230 = tpu.vector_load %arg8[%swap3A_229] {strides = array<i32>} : memref<512xi32, #tpu.memory_space<vmem>>, vector<16xi32>,
    %swap3A_231 = vector.shape_cast %swap3A_230 : vector<16xi32> to vector<16xi32>
    %swap3A_232 = vector.shape_cast %add3A_228 : vector<16xi32> to vector<16xi32>
    tpu.vector_store %arg8[%swap3A_229], %swap3A_232 {strides = array<i32>} : memref<512xi32, #tpu.memory_space<vmem>>, vector<16xi32>,
    %get3A_233 = arith.constant 224 : index
    %get3A_234 = tpu.vector_load %arg6[%get3A_233] {strides = array<i32>} : memref<512xi32, #tpu.memory_space<vmem>>, vector<16xi32>,
    %get3A_235 = vector.shape_cast %get3A_234 : vector<16xi32> to vector<16xi32>
    %mul3A_236 = arith.constant 512 : i32
    %mul3A_237 = vector.broadcast %mul3A_236 : i32 to vector<16xi32>
    %mul3A_238 = arith.muli %get3A_235, %mul3A_237 : vector<16xi32>
    %get3A_239 = arith.constant 224 : index
    %get3A_240 = tpu.vector_load %arg7[%get3A_239] {strides = array<i32>} : memref<512xi32, #tpu.memory_space<vmem>>, vector<16xi32>,
    %get3A_241 = vector.shape_cast %get3A_240 : vector<16xi32> to vector<16xi32>
    %add3A_242 = arith.addi %mul3A_238, %get3A_241 : vector<16xi32>
    %swap3A_243 = arith.constant 224 : index
    %swap3A_244 = tpu.vector_load %arg8[%swap3A_243] {strides = array<i32>} : memref<512xi32, #tpu.memory_space<vmem>>, vector<16xi32>,
    %swap3A_245 = vector.shape_cast %swap3A_244 : vector<16xi32> to vector<16xi32>
    %swap3A_246 = vector.shape_cast %add3A_242 : vector<16xi32> to vector<16xi32>
    tpu.vector_store %arg8[%swap3A_243], %swap3A_246 {strides = array<i32>} : memref<512xi32, #tpu.memory_space<vmem>>, vector<16xi32>,
    %get3A_247 = arith.constant 240 : index
    %get3A_248 = tpu.vector_load %arg6[%get3A_247] {strides = array<i32>} : memref<512xi32, #tpu.memory_space<vmem>>, vector<16xi32>,
    %get3A_249 = vector.shape_cast %get3A_248 : vector<16xi32> to vector<16xi32>
    %mul3A_250 = arith.constant 512 : i32
    %mul3A_251 = vector.broadcast %mul3A_250 : i32 to vector<16xi32>
    %mul3A_252 = arith.muli %get3A_249, %mul3A_251 : vector<16xi32>
    %get3A_253 = arith.constant 240 : index
    %get3A_254 = tpu.vector_load %arg7[%get3A_253] {strides = array<i32>} : memref<512xi32, #tpu.memory_space<vmem>>, vector<16xi32>,
    %get3A_255 = vector.shape_cast %get3A_254 : vector<16xi32> to vector<16xi32>
    %add3A_256 = arith.addi %mul3A_252, %get3A_255 : vector<16xi32>
    %swap3A_257 = arith.constant 240 : index
    %swap3A_258 = tpu.vector_load %arg8[%swap3A_257] {strides = array<i32>} : memref<512xi32, #tpu.memory_space<vmem>>, vector<16xi32>,
    %swap3A_259 = vector.shape_cast %swap3A_258 : vector<16xi32> to vector<16xi32>
    %swap3A_260 = vector.shape_cast %add3A_256 : vector<16xi32> to vector<16xi32>
    tpu.vector_store %arg8[%swap3A_257], %swap3A_260 {strides = array<i32>} : memref<512xi32, #tpu.memory_space<vmem>>, vector<16xi32>,
    %dma_start3A_261 = arith.constant 192 : i32
    %dma_start3A_262 = tpu.memref_slice %arg8[%dma_start3A_261] : memref<512xi32, #tpu.memory_space<vmem>> -> memref<64xi32, #tpu.memory_space<vmem>>
    %dma_start3A_263 = arith.constant 0 : i32
    %dma_start3A_264 = arith.constant 0 : i32
    %dma_start3A_265 = tpu.memref_slice %arg4[%dma_start3A_263, %dma_start3A_264] : memref<262144x512xf32, #tpu.memory_space<hbm>> -> memref<262144x512xf32, #tpu.memory_space<hbm>>
    tpu.enqueue_indirect_dma source(%dma_start3A_265 : memref<262144x512xf32, #tpu.memory_space<hbm>>) target(%arg9 : memref<64x512xf32, #tpu.memory_space<vmem>>) offsets(%dma_start3A_262 : memref<64xi32, #tpu.memory_space<vmem>>) semaphore(%arg12 : memref<!tpu.dma_semaphore, #tpu.memory_space<semaphore_mem>>)
    %dma_wait3A_266 = arith.constant 64 : i32
    %dma_wait3A_267 = tpu.memref_slice %arg8[%dma_wait3A_266] : memref<512xi32, #tpu.memory_space<vmem>> -> memref<64xi32, #tpu.memory_space<vmem>>
    %dma_wait3A_268 = arith.constant 0 : i32
    %dma_wait3A_269 = arith.constant 0 : i32
    %dma_wait3A_270 = tpu.memref_slice %arg4[%dma_wait3A_268, %dma_wait3A_269] : memref<262144x512xf32, #tpu.memory_space<hbm>> -> memref<262144x512xf32, #tpu.memory_space<hbm>>
    tpu.wait_indirect_dma semaphore(%arg13 : memref<!tpu.dma_semaphore, #tpu.memory_space<semaphore_mem>>) src(%dma_wait3A_270 : memref<262144x512xf32, #tpu.memory_space<hbm>>) dst(%arg10 : memref<64x512xf32, #tpu.memory_space<vmem>>)
    %add3A_271 = arith.constant 64 : i32
    %add3A_272 = arith.addi %mul3A_2, %add3A_271 : i32
    %dma_start3A_273 = arith.constant 0 : i32
    %dma_start3A_274 = tpu.memref_slice %arg5[%add3A_272, %dma_start3A_273] : memref<16384x512xf32, #tpu.memory_space<hbm>> -> memref<64x512xf32, #tpu.memory_space<hbm>>
    %dma_start3A_275 = arith.constant 0 : i32
    %dma_start3A_276 = tpu.memref_slice %arg5[%add3A_272, %dma_start3A_275] : memref<16384x512xf32, #tpu.memory_space<hbm>> -> memref<64x512xf32, #tpu.memory_space<hbm>>
    tpu.enqueue_dma source(%arg10 : memref<64x512xf32, #tpu.memory_space<vmem>>) target(%dma_start3A_276 : memref<64x512xf32, #tpu.memory_space<hbm>>) target_semaphore(%arg16 : memref<!tpu.dma_semaphore, #tpu.memory_space<semaphore_mem>>)
    %dma_wait3A_277 = arith.constant 0 : i32
    %dma_wait3A_278 = tpu.memref_slice %arg5[%add3A_272, %dma_wait3A_277] : memref<16384x512xf32, #tpu.memory_space<hbm>> -> memref<64x512xf32, #tpu.memory_space<hbm>>
    %dma_wait3A_279 = arith.constant 0 : i32
    %dma_wait3A_280 = tpu.memref_slice %arg5[%add3A_272, %dma_wait3A_279] : memref<16384x512xf32, #tpu.memory_space<hbm>> -> memref<64x512xf32, #tpu.memory_space<hbm>>
    tpu.wait_dma2 semaphore(%arg16 : memref<!tpu.dma_semaphore, #tpu.memory_space<semaphore_mem>>) src(%arg10 : memref<64x512xf32, #tpu.memory_space<vmem>>) dst(%dma_wait3A_280 : memref<64x512xf32, #tpu.memory_space<hbm>>)
    %get3A_281 = arith.constant 256 : index
    %get3A_282 = tpu.vector_load %arg6[%get3A_281] {strides = array<i32>} : memref<512xi32, #tpu.memory_space<vmem>>, vector<16xi32>,
    %get3A_283 = vector.shape_cast %get3A_282 : vector<16xi32> to vector<16xi32>
    %mul3A_284 = arith.constant 512 : i32
    %mul3A_285 = vector.broadcast %mul3A_284 : i32 to vector<16xi32>
    %mul3A_286 = arith.muli %get3A_283, %mul3A_285 : vector<16xi32>
    %get3A_287 = arith.constant 256 : index
    %get3A_288 = tpu.vector_load %arg7[%get3A_287] {strides = array<i32>} : memref<512xi32, #tpu.memory_space<vmem>>, vector<16xi32>,
    %get3A_289 = vector.shape_cast %get3A_288 : vector<16xi32> to vector<16xi32>
    %add3A_290 = arith.addi %mul3A_286, %get3A_289 : vector<16xi32>
    %swap3A_291 = arith.constant 256 : index
    %swap3A_292 = tpu.vector_load %arg8[%swap3A_291] {strides = array<i32>} : memref<512xi32, #tpu.memory_space<vmem>>, vector<16xi32>,
    %swap3A_293 = vector.shape_cast %swap3A_292 : vector<16xi32> to vector<16xi32>
    %swap3A_294 = vector.shape_cast %add3A_290 : vector<16xi32> to vector<16xi32>
    tpu.vector_store %arg8[%swap3A_291], %swap3A_294 {strides = array<i32>} : memref<512xi32, #tpu.memory_space<vmem>>, vector<16xi32>,
    %get3A_295 = arith.constant 272 : index
    %get3A_296 = tpu.vector_load %arg6[%get3A_295] {strides = array<i32>} : memref<512xi32, #tpu.memory_space<vmem>>, vector<16xi32>,
    %get3A_297 = vector.shape_cast %get3A_296 : vector<16xi32> to vector<16xi32>
    %mul3A_298 = arith.constant 512 : i32
    %mul3A_299 = vector.broadcast %mul3A_298 : i32 to vector<16xi32>
    %mul3A_300 = arith.muli %get3A_297, %mul3A_299 : vector<16xi32>
    %get3A_301 = arith.constant 272 : index
    %get3A_302 = tpu.vector_load %arg7[%get3A_301] {strides = array<i32>} : memref<512xi32, #tpu.memory_space<vmem>>, vector<16xi32>,
    %get3A_303 = vector.shape_cast %get3A_302 : vector<16xi32> to vector<16xi32>
    %add3A_304 = arith.addi %mul3A_300, %get3A_303 : vector<16xi32>
    %swap3A_305 = arith.constant 272 : index
    %swap3A_306 = tpu.vector_load %arg8[%swap3A_305] {strides = array<i32>} : memref<512xi32, #tpu.memory_space<vmem>>, vector<16xi32>,
    %swap3A_307 = vector.shape_cast %swap3A_306 : vector<16xi32> to vector<16xi32>
    %swap3A_308 = vector.shape_cast %add3A_304 : vector<16xi32> to vector<16xi32>
    tpu.vector_store %arg8[%swap3A_305], %swap3A_308 {strides = array<i32>} : memref<512xi32, #tpu.memory_space<vmem>>, vector<16xi32>,
    %get3A_309 = arith.constant 288 : index
    %get3A_310 = tpu.vector_load %arg6[%get3A_309] {strides = array<i32>} : memref<512xi32, #tpu.memory_space<vmem>>, vector<16xi32>,
    %get3A_311 = vector.shape_cast %get3A_310 : vector<16xi32> to vector<16xi32>
    %mul3A_312 = arith.constant 512 : i32
    %mul3A_313 = vector.broadcast %mul3A_312 : i32 to vector<16xi32>
    %mul3A_314 = arith.muli %get3A_311, %mul3A_313 : vector<16xi32>
    %get3A_315 = arith.constant 288 : index
    %get3A_316 = tpu.vector_load %arg7[%get3A_315] {strides = array<i32>} : memref<512xi32, #tpu.memory_space<vmem>>, vector<16xi32>,
    %get3A_317 = vector.shape_cast %get3A_316 : vector<16xi32> to vector<16xi32>
    %add3A_318 = arith.addi %mul3A_314, %get3A_317 : vector<16xi32>
    %swap3A_319 = arith.constant 288 : index
    %swap3A_320 = tpu.vector_load %arg8[%swap3A_319] {strides = array<i32>} : memref<512xi32, #tpu.memory_space<vmem>>, vector<16xi32>,
    %swap3A_321 = vector.shape_cast %swap3A_320 : vector<16xi32> to vector<16xi32>
    %swap3A_322 = vector.shape_cast %add3A_318 : vector<16xi32> to vector<16xi32>
    tpu.vector_store %arg8[%swap3A_319], %swap3A_322 {strides = array<i32>} : memref<512xi32, #tpu.memory_space<vmem>>, vector<16xi32>,
    %get3A_323 = arith.constant 304 : index
    %get3A_324 = tpu.vector_load %arg6[%get3A_323] {strides = array<i32>} : memref<512xi32, #tpu.memory_space<vmem>>, vector<16xi32>,
    %get3A_325 = vector.shape_cast %get3A_324 : vector<16xi32> to vector<16xi32>
    %mul3A_326 = arith.constant 512 : i32
    %mul3A_327 = vector.broadcast %mul3A_326 : i32 to vector<16xi32>
    %mul3A_328 = arith.muli %get3A_325, %mul3A_327 : vector<16xi32>
    %get3A_329 = arith.constant 304 : index
    %get3A_330 = tpu.vector_load %arg7[%get3A_329] {strides = array<i32>} : memref<512xi32, #tpu.memory_space<vmem>>, vector<16xi32>,
    %get3A_331 = vector.shape_cast %get3A_330 : vector<16xi32> to vector<16xi32>
    %add3A_332 = arith.addi %mul3A_328, %get3A_331 : vector<16xi32>
    %swap3A_333 = arith.constant 304 : index
    %swap3A_334 = tpu.vector_load %arg8[%swap3A_333] {strides = array<i32>} : memref<512xi32, #tpu.memory_space<vmem>>, vector<16xi32>,
    %swap3A_335 = vector.shape_cast %swap3A_334 : vector<16xi32> to vector<16xi32>
    %swap3A_336 = vector.shape_cast %add3A_332 : vector<16xi32> to vector<16xi32>
    tpu.vector_store %arg8[%swap3A_333], %swap3A_336 {strides = array<i32>} : memref<512xi32, #tpu.memory_space<vmem>>, vector<16xi32>,
    %dma_start3A_337 = arith.constant 256 : i32
    %dma_start3A_338 = tpu.memref_slice %arg8[%dma_start3A_337] : memref<512xi32, #tpu.memory_space<vmem>> -> memref<64xi32, #tpu.memory_space<vmem>>
    %dma_start3A_339 = arith.constant 0 : i32
    %dma_start3A_340 = arith.constant 0 : i32
    %dma_start3A_341 = tpu.memref_slice %arg4[%dma_start3A_339, %dma_start3A_340] : memref<262144x512xf32, #tpu.memory_space<hbm>> -> memref<262144x512xf32, #tpu.memory_space<hbm>>
    tpu.enqueue_indirect_dma source(%dma_start3A_341 : memref<262144x512xf32, #tpu.memory_space<hbm>>) target(%arg10 : memref<64x512xf32, #tpu.memory_space<vmem>>) offsets(%dma_start3A_338 : memref<64xi32, #tpu.memory_space<vmem>>) semaphore(%arg13 : memref<!tpu.dma_semaphore, #tpu.memory_space<semaphore_mem>>)
    %dma_wait3A_342 = arith.constant 128 : i32
    %dma_wait3A_343 = tpu.memref_slice %arg8[%dma_wait3A_342] : memref<512xi32, #tpu.memory_space<vmem>> -> memref<64xi32, #tpu.memory_space<vmem>>
    %dma_wait3A_344 = arith.constant 0 : i32
    %dma_wait3A_345 = arith.constant 0 : i32
    %dma_wait3A_346 = tpu.memref_slice %arg4[%dma_wait3A_344, %dma_wait3A_345] : memref<262144x512xf32, #tpu.memory_space<hbm>> -> memref<262144x512xf32, #tpu.memory_space<hbm>>
    tpu.wait_indirect_dma semaphore(%arg14 : memref<!tpu.dma_semaphore, #tpu.memory_space<semaphore_mem>>) src(%dma_wait3A_346 : memref<262144x512xf32, #tpu.memory_space<hbm>>) dst(%arg11 : memref<64x512xf32, #tpu.memory_space<vmem>>)
    %add3A_347 = arith.constant 128 : i32
    %add3A_348 = arith.addi %mul3A_2, %add3A_347 : i32
    %dma_start3A_349 = arith.constant 0 : i32
    %dma_start3A_350 = tpu.memref_slice %arg5[%add3A_348, %dma_start3A_349] : memref<16384x512xf32, #tpu.memory_space<hbm>> -> memref<64x512xf32, #tpu.memory_space<hbm>>
    %dma_start3A_351 = arith.constant 0 : i32
    %dma_start3A_352 = tpu.memref_slice %arg5[%add3A_348, %dma_start3A_351] : memref<16384x512xf32, #tpu.memory_space<hbm>> -> memref<64x512xf32, #tpu.memory_space<hbm>>
    tpu.enqueue_dma source(%arg11 : memref<64x512xf32, #tpu.memory_space<vmem>>) target(%dma_start3A_352 : memref<64x512xf32, #tpu.memory_space<hbm>>) target_semaphore(%arg17 : memref<!tpu.dma_semaphore, #tpu.memory_space<semaphore_mem>>)
    %dma_wait3A_353 = arith.constant 0 : i32
    %dma_wait3A_354 = tpu.memref_slice %arg5[%add3A_348, %dma_wait3A_353] : memref<16384x512xf32, #tpu.memory_space<hbm>> -> memref<64x512xf32, #tpu.memory_space<hbm>>
    %dma_wait3A_355 = arith.constant 0 : i32
    %dma_wait3A_356 = tpu.memref_slice %arg5[%add3A_348, %dma_wait3A_355] : memref<16384x512xf32, #tpu.memory_space<hbm>> -> memref<64x512xf32, #tpu.memory_space<hbm>>
    tpu.wait_dma2 semaphore(%arg17 : memref<!tpu.dma_semaphore, #tpu.memory_space<semaphore_mem>>) src(%arg11 : memref<64x512xf32, #tpu.memory_space<vmem>>) dst(%dma_wait3A_356 : memref<64x512xf32, #tpu.memory_space<hbm>>)
    %get3A_357 = arith.constant 320 : index
    %get3A_358 = tpu.vector_load %arg6[%get3A_357] {strides = array<i32>} : memref<512xi32, #tpu.memory_space<vmem>>, vector<16xi32>,
    %get3A_359 = vector.shape_cast %get3A_358 : vector<16xi32> to vector<16xi32>
    %mul3A_360 = arith.constant 512 : i32
    %mul3A_361 = vector.broadcast %mul3A_360 : i32 to vector<16xi32>
    %mul3A_362 = arith.muli %get3A_359, %mul3A_361 : vector<16xi32>
    %get3A_363 = arith.constant 320 : index
    %get3A_364 = tpu.vector_load %arg7[%get3A_363] {strides = array<i32>} : memref<512xi32, #tpu.memory_space<vmem>>, vector<16xi32>,
    %get3A_365 = vector.shape_cast %get3A_364 : vector<16xi32> to vector<16xi32>
    %add3A_366 = arith.addi %mul3A_362, %get3A_365 : vector<16xi32>
    %swap3A_367 = arith.constant 320 : index
    %swap3A_368 = tpu.vector_load %arg8[%swap3A_367] {strides = array<i32>} : memref<512xi32, #tpu.memory_space<vmem>>, vector<16xi32>,
    %swap3A_369 = vector.shape_cast %swap3A_368 : vector<16xi32> to vector<16xi32>
    %swap3A_370 = vector.shape_cast %add3A_366 : vector<16xi32> to vector<16xi32>
    tpu.vector_store %arg8[%swap3A_367], %swap3A_370 {strides = array<i32>} : memref<512xi32, #tpu.memory_space<vmem>>, vector<16xi32>,
    %get3A_371 = arith.constant 336 : index
    %get3A_372 = tpu.vector_load %arg6[%get3A_371] {strides = array<i32>} : memref<512xi32, #tpu.memory_space<vmem>>, vector<16xi32>,
    %get3A_373 = vector.shape_cast %get3A_372 : vector<16xi32> to vector<16xi32>
    %mul3A_374 = arith.constant 512 : i32
    %mul3A_375 = vector.broadcast %mul3A_374 : i32 to vector<16xi32>
    %mul3A_376 = arith.muli %get3A_373, %mul3A_375 : vector<16xi32>
    %get3A_377 = arith.constant 336 : index
    %get3A_378 = tpu.vector_load %arg7[%get3A_377] {strides = array<i32>} : memref<512xi32, #tpu.memory_space<vmem>>, vector<16xi32>,
    %get3A_379 = vector.shape_cast %get3A_378 : vector<16xi32> to vector<16xi32>
    %add3A_380 = arith.addi %mul3A_376, %get3A_379 : vector<16xi32>
    %swap3A_381 = arith.constant 336 : index
    %swap3A_382 = tpu.vector_load %arg8[%swap3A_381] {strides = array<i32>} : memref<512xi32, #tpu.memory_space<vmem>>, vector<16xi32>,
    %swap3A_383 = vector.shape_cast %swap3A_382 : vector<16xi32> to vector<16xi32>
    %swap3A_384 = vector.shape_cast %add3A_380 : vector<16xi32> to vector<16xi32>
    tpu.vector_store %arg8[%swap3A_381], %swap3A_384 {strides = array<i32>} : memref<512xi32, #tpu.memory_space<vmem>>, vector<16xi32>,
    %get3A_385 = arith.constant 352 : index
    %get3A_386 = tpu.vector_load %arg6[%get3A_385] {strides = array<i32>} : memref<512xi32, #tpu.memory_space<vmem>>, vector<16xi32>,
    %get3A_387 = vector.shape_cast %get3A_386 : vector<16xi32> to vector<16xi32>
    %mul3A_388 = arith.constant 512 : i32
    %mul3A_389 = vector.broadcast %mul3A_388 : i32 to vector<16xi32>
    %mul3A_390 = arith.muli %get3A_387, %mul3A_389 : vector<16xi32>
    %get3A_391 = arith.constant 352 : index
    %get3A_392 = tpu.vector_load %arg7[%get3A_391] {strides = array<i32>} : memref<512xi32, #tpu.memory_space<vmem>>, vector<16xi32>,
    %get3A_393 = vector.shape_cast %get3A_392 : vector<16xi32> to vector<16xi32>
    %add3A_394 = arith.addi %mul3A_390, %get3A_393 : vector<16xi32>
    %swap3A_395 = arith.constant 352 : index
    %swap3A_396 = tpu.vector_load %arg8[%swap3A_395] {strides = array<i32>} : memref<512xi32, #tpu.memory_space<vmem>>, vector<16xi32>,
    %swap3A_397 = vector.shape_cast %swap3A_396 : vector<16xi32> to vector<16xi32>
    %swap3A_398 = vector.shape_cast %add3A_394 : vector<16xi32> to vector<16xi32>
    tpu.vector_store %arg8[%swap3A_395], %swap3A_398 {strides = array<i32>} : memref<512xi32, #tpu.memory_space<vmem>>, vector<16xi32>,
    %get3A_399 = arith.constant 368 : index
    %get3A_400 = tpu.vector_load %arg6[%get3A_399] {strides = array<i32>} : memref<512xi32, #tpu.memory_space<vmem>>, vector<16xi32>,
    %get3A_401 = vector.shape_cast %get3A_400 : vector<16xi32> to vector<16xi32>
    %mul3A_402 = arith.constant 512 : i32
    %mul3A_403 = vector.broadcast %mul3A_402 : i32 to vector<16xi32>
    %mul3A_404 = arith.muli %get3A_401, %mul3A_403 : vector<16xi32>
    %get3A_405 = arith.constant 368 : index
    %get3A_406 = tpu.vector_load %arg7[%get3A_405] {strides = array<i32>} : memref<512xi32, #tpu.memory_space<vmem>>, vector<16xi32>,
    %get3A_407 = vector.shape_cast %get3A_406 : vector<16xi32> to vector<16xi32>
    %add3A_408 = arith.addi %mul3A_404, %get3A_407 : vector<16xi32>
    %swap3A_409 = arith.constant 368 : index
    %swap3A_410 = tpu.vector_load %arg8[%swap3A_409] {strides = array<i32>} : memref<512xi32, #tpu.memory_space<vmem>>, vector<16xi32>,
    %swap3A_411 = vector.shape_cast %swap3A_410 : vector<16xi32> to vector<16xi32>
    %swap3A_412 = vector.shape_cast %add3A_408 : vector<16xi32> to vector<16xi32>
    tpu.vector_store %arg8[%swap3A_409], %swap3A_412 {strides = array<i32>} : memref<512xi32, #tpu.memory_space<vmem>>, vector<16xi32>,
    %dma_start3A_413 = arith.constant 320 : i32
    %dma_start3A_414 = tpu.memref_slice %arg8[%dma_start3A_413] : memref<512xi32, #tpu.memory_space<vmem>> -> memref<64xi32, #tpu.memory_space<vmem>>
    %dma_start3A_415 = arith.constant 0 : i32
    %dma_start3A_416 = arith.constant 0 : i32
    %dma_start3A_417 = tpu.memref_slice %arg4[%dma_start3A_415, %dma_start3A_416] : memref<262144x512xf32, #tpu.memory_space<hbm>> -> memref<262144x512xf32, #tpu.memory_space<hbm>>
    tpu.enqueue_indirect_dma source(%dma_start3A_417 : memref<262144x512xf32, #tpu.memory_space<hbm>>) target(%arg11 : memref<64x512xf32, #tpu.memory_space<vmem>>) offsets(%dma_start3A_414 : memref<64xi32, #tpu.memory_space<vmem>>) semaphore(%arg14 : memref<!tpu.dma_semaphore, #tpu.memory_space<semaphore_mem>>)
    %dma_wait3A_418 = arith.constant 192 : i32
    %dma_wait3A_419 = tpu.memref_slice %arg8[%dma_wait3A_418] : memref<512xi32, #tpu.memory_space<vmem>> -> memref<64xi32, #tpu.memory_space<vmem>>
    %dma_wait3A_420 = arith.constant 0 : i32
    %dma_wait3A_421 = arith.constant 0 : i32
    %dma_wait3A_422 = tpu.memref_slice %arg4[%dma_wait3A_420, %dma_wait3A_421] : memref<262144x512xf32, #tpu.memory_space<hbm>> -> memref<262144x512xf32, #tpu.memory_space<hbm>>
    tpu.wait_indirect_dma semaphore(%arg12 : memref<!tpu.dma_semaphore, #tpu.memory_space<semaphore_mem>>) src(%dma_wait3A_422 : memref<262144x512xf32, #tpu.memory_space<hbm>>) dst(%arg9 : memref<64x512xf32, #tpu.memory_space<vmem>>)
    %add3A_423 = arith.constant 192 : i32
    %add3A_424 = arith.addi %mul3A_2, %add3A_423 : i32
    %dma_start3A_425 = arith.constant 0 : i32
    %dma_start3A_426 = tpu.memref_slice %arg5[%add3A_424, %dma_start3A_425] : memref<16384x512xf32, #tpu.memory_space<hbm>> -> memref<64x512xf32, #tpu.memory_space<hbm>>
    %dma_start3A_427 = arith.constant 0 : i32
    %dma_start3A_428 = tpu.memref_slice %arg5[%add3A_424, %dma_start3A_427] : memref<16384x512xf32, #tpu.memory_space<hbm>> -> memref<64x512xf32, #tpu.memory_space<hbm>>
    tpu.enqueue_dma source(%arg9 : memref<64x512xf32, #tpu.memory_space<vmem>>) target(%dma_start3A_428 : memref<64x512xf32, #tpu.memory_space<hbm>>) target_semaphore(%arg15 : memref<!tpu.dma_semaphore, #tpu.memory_space<semaphore_mem>>)
    %dma_wait3A_429 = arith.constant 0 : i32
    %dma_wait3A_430 = tpu.memref_slice %arg5[%add3A_424, %dma_wait3A_429] : memref<16384x512xf32, #tpu.memory_space<hbm>> -> memref<64x512xf32, #tpu.memory_space<hbm>>
    %dma_wait3A_431 = arith.constant 0 : i32
    %dma_wait3A_432 = tpu.memref_slice %arg5[%add3A_424, %dma_wait3A_431] : memref<16384x512xf32, #tpu.memory_space<hbm>> -> memref<64x512xf32, #tpu.memory_space<hbm>>
    tpu.wait_dma2 semaphore(%arg15 : memref<!tpu.dma_semaphore, #tpu.memory_space<semaphore_mem>>) src(%arg9 : memref<64x512xf32, #tpu.memory_space<vmem>>) dst(%dma_wait3A_432 : memref<64x512xf32, #tpu.memory_space<hbm>>)
    %get3A_433 = arith.constant 384 : index
    %get3A_434 = tpu.vector_load %arg6[%get3A_433] {strides = array<i32>} : memref<512xi32, #tpu.memory_space<vmem>>, vector<16xi32>,
    %get3A_435 = vector.shape_cast %get3A_434 : vector<16xi32> to vector<16xi32>
    %mul3A_436 = arith.constant 512 : i32
    %mul3A_437 = vector.broadcast %mul3A_436 : i32 to vector<16xi32>
    %mul3A_438 = arith.muli %get3A_435, %mul3A_437 : vector<16xi32>
    %get3A_439 = arith.constant 384 : index
    %get3A_440 = tpu.vector_load %arg7[%get3A_439] {strides = array<i32>} : memref<512xi32, #tpu.memory_space<vmem>>, vector<16xi32>,
    %get3A_441 = vector.shape_cast %get3A_440 : vector<16xi32> to vector<16xi32>
    %add3A_442 = arith.addi %mul3A_438, %get3A_441 : vector<16xi32>
    %swap3A_443 = arith.constant 384 : index
    %swap3A_444 = tpu.vector_load %arg8[%swap3A_443] {strides = array<i32>} : memref<512xi32, #tpu.memory_space<vmem>>, vector<16xi32>,
    %swap3A_445 = vector.shape_cast %swap3A_444 : vector<16xi32> to vector<16xi32>
    %swap3A_446 = vector.shape_cast %add3A_442 : vector<16xi32> to vector<16xi32>
    tpu.vector_store %arg8[%swap3A_443], %swap3A_446 {strides = array<i32>} : memref<512xi32, #tpu.memory_space<vmem>>, vector<16xi32>,
    %get3A_447 = arith.constant 400 : index
    %get3A_448 = tpu.vector_load %arg6[%get3A_447] {strides = array<i32>} : memref<512xi32, #tpu.memory_space<vmem>>, vector<16xi32>,
    %get3A_449 = vector.shape_cast %get3A_448 : vector<16xi32> to vector<16xi32>
    %mul3A_450 = arith.constant 512 : i32
    %mul3A_451 = vector.broadcast %mul3A_450 : i32 to vector<16xi32>
    %mul3A_452 = arith.muli %get3A_449, %mul3A_451 : vector<16xi32>
    %get3A_453 = arith.constant 400 : index
    %get3A_454 = tpu.vector_load %arg7[%get3A_453] {strides = array<i32>} : memref<512xi32, #tpu.memory_space<vmem>>, vector<16xi32>,
    %get3A_455 = vector.shape_cast %get3A_454 : vector<16xi32> to vector<16xi32>
    %add3A_456 = arith.addi %mul3A_452, %get3A_455 : vector<16xi32>
    %swap3A_457 = arith.constant 400 : index
    %swap3A_458 = tpu.vector_load %arg8[%swap3A_457] {strides = array<i32>} : memref<512xi32, #tpu.memory_space<vmem>>, vector<16xi32>,
    %swap3A_459 = vector.shape_cast %swap3A_458 : vector<16xi32> to vector<16xi32>
    %swap3A_460 = vector.shape_cast %add3A_456 : vector<16xi32> to vector<16xi32>
    tpu.vector_store %arg8[%swap3A_457], %swap3A_460 {strides = array<i32>} : memref<512xi32, #tpu.memory_space<vmem>>, vector<16xi32>,
    %get3A_461 = arith.constant 416 : index
    %get3A_462 = tpu.vector_load %arg6[%get3A_461] {strides = array<i32>} : memref<512xi32, #tpu.memory_space<vmem>>, vector<16xi32>,
    %get3A_463 = vector.shape_cast %get3A_462 : vector<16xi32> to vector<16xi32>
    %mul3A_464 = arith.constant 512 : i32
    %mul3A_465 = vector.broadcast %mul3A_464 : i32 to vector<16xi32>
    %mul3A_466 = arith.muli %get3A_463, %mul3A_465 : vector<16xi32>
    %get3A_467 = arith.constant 416 : index
    %get3A_468 = tpu.vector_load %arg7[%get3A_467] {strides = array<i32>} : memref<512xi32, #tpu.memory_space<vmem>>, vector<16xi32>,
    %get3A_469 = vector.shape_cast %get3A_468 : vector<16xi32> to vector<16xi32>
    %add3A_470 = arith.addi %mul3A_466, %get3A_469 : vector<16xi32>
    %swap3A_471 = arith.constant 416 : index
    %swap3A_472 = tpu.vector_load %arg8[%swap3A_471] {strides = array<i32>} : memref<512xi32, #tpu.memory_space<vmem>>, vector<16xi32>,
    %swap3A_473 = vector.shape_cast %swap3A_472 : vector<16xi32> to vector<16xi32>
    %swap3A_474 = vector.shape_cast %add3A_470 : vector<16xi32> to vector<16xi32>
    tpu.vector_store %arg8[%swap3A_471], %swap3A_474 {strides = array<i32>} : memref<512xi32, #tpu.memory_space<vmem>>, vector<16xi32>,
    %get3A_475 = arith.constant 432 : index
    %get3A_476 = tpu.vector_load %arg6[%get3A_475] {strides = array<i32>} : memref<512xi32, #tpu.memory_space<vmem>>, vector<16xi32>,
    %get3A_477 = vector.shape_cast %get3A_476 : vector<16xi32> to vector<16xi32>
    %mul3A_478 = arith.constant 512 : i32
    %mul3A_479 = vector.broadcast %mul3A_478 : i32 to vector<16xi32>
    %mul3A_480 = arith.muli %get3A_477, %mul3A_479 : vector<16xi32>
    %get3A_481 = arith.constant 432 : index
    %get3A_482 = tpu.vector_load %arg7[%get3A_481] {strides = array<i32>} : memref<512xi32, #tpu.memory_space<vmem>>, vector<16xi32>,
    %get3A_483 = vector.shape_cast %get3A_482 : vector<16xi32> to vector<16xi32>
    %add3A_484 = arith.addi %mul3A_480, %get3A_483 : vector<16xi32>
    %swap3A_485 = arith.constant 432 : index
    %swap3A_486 = tpu.vector_load %arg8[%swap3A_485] {strides = array<i32>} : memref<512xi32, #tpu.memory_space<vmem>>, vector<16xi32>,
    %swap3A_487 = vector.shape_cast %swap3A_486 : vector<16xi32> to vector<16xi32>
    %swap3A_488 = vector.shape_cast %add3A_484 : vector<16xi32> to vector<16xi32>
    tpu.vector_store %arg8[%swap3A_485], %swap3A_488 {strides = array<i32>} : memref<512xi32, #tpu.memory_space<vmem>>, vector<16xi32>,
    %dma_start3A_489 = arith.constant 384 : i32
    %dma_start3A_490 = tpu.memref_slice %arg8[%dma_start3A_489] : memref<512xi32, #tpu.memory_space<vmem>> -> memref<64xi32, #tpu.memory_space<vmem>>
    %dma_start3A_491 = arith.constant 0 : i32
    %dma_start3A_492 = arith.constant 0 : i32
    %dma_start3A_493 = tpu.memref_slice %arg4[%dma_start3A_491, %dma_start3A_492] : memref<262144x512xf32, #tpu.memory_space<hbm>> -> memref<262144x512xf32, #tpu.memory_space<hbm>>
    tpu.enqueue_indirect_dma source(%dma_start3A_493 : memref<262144x512xf32, #tpu.memory_space<hbm>>) target(%arg9 : memref<64x512xf32, #tpu.memory_space<vmem>>) offsets(%dma_start3A_490 : memref<64xi32, #tpu.memory_space<vmem>>) semaphore(%arg12 : memref<!tpu.dma_semaphore, #tpu.memory_space<semaphore_mem>>)
    %dma_wait3A_494 = arith.constant 256 : i32
    %dma_wait3A_495 = tpu.memref_slice %arg8[%dma_wait3A_494] : memref<512xi32, #tpu.memory_space<vmem>> -> memref<64xi32, #tpu.memory_space<vmem>>
    %dma_wait3A_496 = arith.constant 0 : i32
    %dma_wait3A_497 = arith.constant 0 : i32
    %dma_wait3A_498 = tpu.memref_slice %arg4[%dma_wait3A_496, %dma_wait3A_497] : memref<262144x512xf32, #tpu.memory_space<hbm>> -> memref<262144x512xf32, #tpu.memory_space<hbm>>
    tpu.wait_indirect_dma semaphore(%arg13 : memref<!tpu.dma_semaphore, #tpu.memory_space<semaphore_mem>>) src(%dma_wait3A_498 : memref<262144x512xf32, #tpu.memory_space<hbm>>) dst(%arg10 : memref<64x512xf32, #tpu.memory_space<vmem>>)
    %add3A_499 = arith.constant 256 : i32
    %add3A_500 = arith.addi %mul3A_2, %add3A_499 : i32
    %dma_start3A_501 = arith.constant 0 : i32
    %dma_start3A_502 = tpu.memref_slice %arg5[%add3A_500, %dma_start3A_501] : memref<16384x512xf32, #tpu.memory_space<hbm>> -> memref<64x512xf32, #tpu.memory_space<hbm>>
    %dma_start3A_503 = arith.constant 0 : i32
    %dma_start3A_504 = tpu.memref_slice %arg5[%add3A_500, %dma_start3A_503] : memref<16384x512xf32, #tpu.memory_space<hbm>> -> memref<64x512xf32, #tpu.memory_space<hbm>>
    tpu.enqueue_dma source(%arg10 : memref<64x512xf32, #tpu.memory_space<vmem>>) target(%dma_start3A_504 : memref<64x512xf32, #tpu.memory_space<hbm>>) target_semaphore(%arg16 : memref<!tpu.dma_semaphore, #tpu.memory_space<semaphore_mem>>)
    %dma_wait3A_505 = arith.constant 0 : i32
    %dma_wait3A_506 = tpu.memref_slice %arg5[%add3A_500, %dma_wait3A_505] : memref<16384x512xf32, #tpu.memory_space<hbm>> -> memref<64x512xf32, #tpu.memory_space<hbm>>
    %dma_wait3A_507 = arith.constant 0 : i32
    %dma_wait3A_508 = tpu.memref_slice %arg5[%add3A_500, %dma_wait3A_507] : memref<16384x512xf32, #tpu.memory_space<hbm>> -> memref<64x512xf32, #tpu.memory_space<hbm>>
    tpu.wait_dma2 semaphore(%arg16 : memref<!tpu.dma_semaphore, #tpu.memory_space<semaphore_mem>>) src(%arg10 : memref<64x512xf32, #tpu.memory_space<vmem>>) dst(%dma_wait3A_508 : memref<64x512xf32, #tpu.memory_space<hbm>>)
    %get3A_509 = arith.constant 448 : index
    %get3A_510 = tpu.vector_load %arg6[%get3A_509] {strides = array<i32>} : memref<512xi32, #tpu.memory_space<vmem>>, vector<16xi32>,
    %get3A_511 = vector.shape_cast %get3A_510 : vector<16xi32> to vector<16xi32>
    %mul3A_512 = arith.constant 512 : i32
    %mul3A_513 = vector.broadcast %mul3A_512 : i32 to vector<16xi32>
    %mul3A_514 = arith.muli %get3A_511, %mul3A_513 : vector<16xi32>
    %get3A_515 = arith.constant 448 : index
    %get3A_516 = tpu.vector_load %arg7[%get3A_515] {strides = array<i32>} : memref<512xi32, #tpu.memory_space<vmem>>, vector<16xi32>,
    %get3A_517 = vector.shape_cast %get3A_516 : vector<16xi32> to vector<16xi32>
    %add3A_518 = arith.addi %mul3A_514, %get3A_517 : vector<16xi32>
    %swap3A_519 = arith.constant 448 : index
    %swap3A_520 = tpu.vector_load %arg8[%swap3A_519] {strides = array<i32>} : memref<512xi32, #tpu.memory_space<vmem>>, vector<16xi32>,
    %swap3A_521 = vector.shape_cast %swap3A_520 : vector<16xi32> to vector<16xi32>
    %swap3A_522 = vector.shape_cast %add3A_518 : vector<16xi32> to vector<16xi32>
    tpu.vector_store %arg8[%swap3A_519], %swap3A_522 {strides = array<i32>} : memref<512xi32, #tpu.memory_space<vmem>>, vector<16xi32>,
    %get3A_523 = arith.constant 464 : index
    %get3A_524 = tpu.vector_load %arg6[%get3A_523] {strides = array<i32>} : memref<512xi32, #tpu.memory_space<vmem>>, vector<16xi32>,
    %get3A_525 = vector.shape_cast %get3A_524 : vector<16xi32> to vector<16xi32>
    %mul3A_526 = arith.constant 512 : i32
    %mul3A_527 = vector.broadcast %mul3A_526 : i32 to vector<16xi32>
    %mul3A_528 = arith.muli %get3A_525, %mul3A_527 : vector<16xi32>
    %get3A_529 = arith.constant 464 : index
    %get3A_530 = tpu.vector_load %arg7[%get3A_529] {strides = array<i32>} : memref<512xi32, #tpu.memory_space<vmem>>, vector<16xi32>,
    %get3A_531 = vector.shape_cast %get3A_530 : vector<16xi32> to vector<16xi32>
    %add3A_532 = arith.addi %mul3A_528, %get3A_531 : vector<16xi32>
    %swap3A_533 = arith.constant 464 : index
    %swap3A_534 = tpu.vector_load %arg8[%swap3A_533] {strides = array<i32>} : memref<512xi32, #tpu.memory_space<vmem>>, vector<16xi32>,
    %swap3A_535 = vector.shape_cast %swap3A_534 : vector<16xi32> to vector<16xi32>
    %swap3A_536 = vector.shape_cast %add3A_532 : vector<16xi32> to vector<16xi32>
    tpu.vector_store %arg8[%swap3A_533], %swap3A_536 {strides = array<i32>} : memref<512xi32, #tpu.memory_space<vmem>>, vector<16xi32>,
    %get3A_537 = arith.constant 480 : index
    %get3A_538 = tpu.vector_load %arg6[%get3A_537] {strides = array<i32>} : memref<512xi32, #tpu.memory_space<vmem>>, vector<16xi32>,
    %get3A_539 = vector.shape_cast %get3A_538 : vector<16xi32> to vector<16xi32>
    %mul3A_540 = arith.constant 512 : i32
    %mul3A_541 = vector.broadcast %mul3A_540 : i32 to vector<16xi32>
    %mul3A_542 = arith.muli %get3A_539, %mul3A_541 : vector<16xi32>
    %get3A_543 = arith.constant 480 : index
    %get3A_544 = tpu.vector_load %arg7[%get3A_543] {strides = array<i32>} : memref<512xi32, #tpu.memory_space<vmem>>, vector<16xi32>,
    %get3A_545 = vector.shape_cast %get3A_544 : vector<16xi32> to vector<16xi32>
    %add3A_546 = arith.addi %mul3A_542, %get3A_545 : vector<16xi32>
    %swap3A_547 = arith.constant 480 : index
    %swap3A_548 = tpu.vector_load %arg8[%swap3A_547] {strides = array<i32>} : memref<512xi32, #tpu.memory_space<vmem>>, vector<16xi32>,
    %swap3A_549 = vector.shape_cast %swap3A_548 : vector<16xi32> to vector<16xi32>
    %swap3A_550 = vector.shape_cast %add3A_546 : vector<16xi32> to vector<16xi32>
    tpu.vector_store %arg8[%swap3A_547], %swap3A_550 {strides = array<i32>} : memref<512xi32, #tpu.memory_space<vmem>>, vector<16xi32>,
    %get3A_551 = arith.constant 496 : index
    %get3A_552 = tpu.vector_load %arg6[%get3A_551] {strides = array<i32>} : memref<512xi32, #tpu.memory_space<vmem>>, vector<16xi32>,
    %get3A_553 = vector.shape_cast %get3A_552 : vector<16xi32> to vector<16xi32>
    %mul3A_554 = arith.constant 512 : i32
    %mul3A_555 = vector.broadcast %mul3A_554 : i32 to vector<16xi32>
    %mul3A_556 = arith.muli %get3A_553, %mul3A_555 : vector<16xi32>
    %get3A_557 = arith.constant 496 : index
    %get3A_558 = tpu.vector_load %arg7[%get3A_557] {strides = array<i32>} : memref<512xi32, #tpu.memory_space<vmem>>, vector<16xi32>,
    %get3A_559 = vector.shape_cast %get3A_558 : vector<16xi32> to vector<16xi32>
    %add3A_560 = arith.addi %mul3A_556, %get3A_559 : vector<16xi32>
    %swap3A_561 = arith.constant 496 : index
    %swap3A_562 = tpu.vector_load %arg8[%swap3A_561] {strides = array<i32>} : memref<512xi32, #tpu.memory_space<vmem>>, vector<16xi32>,
    %swap3A_563 = vector.shape_cast %swap3A_562 : vector<16xi32> to vector<16xi32>
    %swap3A_564 = vector.shape_cast %add3A_560 : vector<16xi32> to vector<16xi32>
    tpu.vector_store %arg8[%swap3A_561], %swap3A_564 {strides = array<i32>} : memref<512xi32, #tpu.memory_space<vmem>>, vector<16xi32>,
    %dma_start3A_565 = arith.constant 448 : i32
    %dma_start3A_566 = tpu.memref_slice %arg8[%dma_start3A_565] : memref<512xi32, #tpu.memory_space<vmem>> -> memref<64xi32, #tpu.memory_space<vmem>>
    %dma_start3A_567 = arith.constant 0 : i32
    %dma_start3A_568 = arith.constant 0 : i32
    %dma_start3A_569 = tpu.memref_slice %arg4[%dma_start3A_567, %dma_start3A_568] : memref<262144x512xf32, #tpu.memory_space<hbm>> -> memref<262144x512xf32, #tpu.memory_space<hbm>>
    tpu.enqueue_indirect_dma source(%dma_start3A_569 : memref<262144x512xf32, #tpu.memory_space<hbm>>) target(%arg10 : memref<64x512xf32, #tpu.memory_space<vmem>>) offsets(%dma_start3A_566 : memref<64xi32, #tpu.memory_space<vmem>>) semaphore(%arg13 : memref<!tpu.dma_semaphore, #tpu.memory_space<semaphore_mem>>)
    %dma_wait3A_570 = arith.constant 320 : i32
    %dma_wait3A_571 = tpu.memref_slice %arg8[%dma_wait3A_570] : memref<512xi32, #tpu.memory_space<vmem>> -> memref<64xi32, #tpu.memory_space<vmem>>
    %dma_wait3A_572 = arith.constant 0 : i32
    %dma_wait3A_573 = arith.constant 0 : i32
    %dma_wait3A_574 = tpu.memref_slice %arg4[%dma_wait3A_572, %dma_wait3A_573] : memref<262144x512xf32, #tpu.memory_space<hbm>> -> memref<262144x512xf32, #tpu.memory_space<hbm>>
    tpu.wait_indirect_dma semaphore(%arg14 : memref<!tpu.dma_semaphore, #tpu.memory_space<semaphore_mem>>) src(%dma_wait3A_574 : memref<262144x512xf32, #tpu.memory_space<hbm>>) dst(%arg11 : memref<64x512xf32, #tpu.memory_space<vmem>>)
    %add3A_575 = arith.constant 320 : i32
    %add3A_576 = arith.addi %mul3A_2, %add3A_575 : i32
    %dma_start3A_577 = arith.constant 0 : i32
    %dma_start3A_578 = tpu.memref_slice %arg5[%add3A_576, %dma_start3A_577] : memref<16384x512xf32, #tpu.memory_space<hbm>> -> memref<64x512xf32, #tpu.memory_space<hbm>>
    %dma_start3A_579 = arith.constant 0 : i32
    %dma_start3A_580 = tpu.memref_slice %arg5[%add3A_576, %dma_start3A_579] : memref<16384x512xf32, #tpu.memory_space<hbm>> -> memref<64x512xf32, #tpu.memory_space<hbm>>
    tpu.enqueue_dma source(%arg11 : memref<64x512xf32, #tpu.memory_space<vmem>>) target(%dma_start3A_580 : memref<64x512xf32, #tpu.memory_space<hbm>>) target_semaphore(%arg17 : memref<!tpu.dma_semaphore, #tpu.memory_space<semaphore_mem>>)
    %dma_wait3A_581 = arith.constant 384 : i32
    %dma_wait3A_582 = tpu.memref_slice %arg8[%dma_wait3A_581] : memref<512xi32, #tpu.memory_space<vmem>> -> memref<64xi32, #tpu.memory_space<vmem>>
    %dma_wait3A_583 = arith.constant 0 : i32
    %dma_wait3A_584 = arith.constant 0 : i32
    %dma_wait3A_585 = tpu.memref_slice %arg4[%dma_wait3A_583, %dma_wait3A_584] : memref<262144x512xf32, #tpu.memory_space<hbm>> -> memref<262144x512xf32, #tpu.memory_space<hbm>>
    tpu.wait_indirect_dma semaphore(%arg12 : memref<!tpu.dma_semaphore, #tpu.memory_space<semaphore_mem>>) src(%dma_wait3A_585 : memref<262144x512xf32, #tpu.memory_space<hbm>>) dst(%arg9 : memref<64x512xf32, #tpu.memory_space<vmem>>)
    %add3A_586 = arith.constant 384 : i32
    %add3A_587 = arith.addi %mul3A_2, %add3A_586 : i32
    %dma_start3A_588 = arith.constant 0 : i32
    %dma_start3A_589 = tpu.memref_slice %arg5[%add3A_587, %dma_start3A_588] : memref<16384x512xf32, #tpu.memory_space<hbm>> -> memref<64x512xf32, #tpu.memory_space<hbm>>
    %dma_start3A_590 = arith.constant 0 : i32
    %dma_start3A_591 = tpu.memref_slice %arg5[%add3A_587, %dma_start3A_590] : memref<16384x512xf32, #tpu.memory_space<hbm>> -> memref<64x512xf32, #tpu.memory_space<hbm>>
    tpu.enqueue_dma source(%arg9 : memref<64x512xf32, #tpu.memory_space<vmem>>) target(%dma_start3A_591 : memref<64x512xf32, #tpu.memory_space<hbm>>) target_semaphore(%arg15 : memref<!tpu.dma_semaphore, #tpu.memory_space<semaphore_mem>>)
    %dma_wait3A_592 = arith.constant 448 : i32
    %dma_wait3A_593 = tpu.memref_slice %arg8[%dma_wait3A_592] : memref<512xi32, #tpu.memory_space<vmem>> -> memref<64xi32, #tpu.memory_space<vmem>>
    %dma_wait3A_594 = arith.constant 0 : i32
    %dma_wait3A_595 = arith.constant 0 : i32
    %dma_wait3A_596 = tpu.memref_slice %arg4[%dma_wait3A_594, %dma_wait3A_595] : memref<262144x512xf32, #tpu.memory_space<hbm>> -> memref<262144x512xf32, #tpu.memory_space<hbm>>
    tpu.wait_indirect_dma semaphore(%arg13 : memref<!tpu.dma_semaphore, #tpu.memory_space<semaphore_mem>>) src(%dma_wait3A_596 : memref<262144x512xf32, #tpu.memory_space<hbm>>) dst(%arg10 : memref<64x512xf32, #tpu.memory_space<vmem>>)
    %add3A_597 = arith.constant 448 : i32
    %add3A_598 = arith.addi %mul3A_2, %add3A_597 : i32
    %dma_start3A_599 = arith.constant 0 : i32
    %dma_start3A_600 = tpu.memref_slice %arg5[%add3A_598, %dma_start3A_599] : memref<16384x512xf32, #tpu.memory_space<hbm>> -> memref<64x512xf32, #tpu.memory_space<hbm>>
    %dma_start3A_601 = arith.constant 0 : i32
    %dma_start3A_602 = tpu.memref_slice %arg5[%add3A_598, %dma_start3A_601] : memref<16384x512xf32, #tpu.memory_space<hbm>> -> memref<64x512xf32, #tpu.memory_space<hbm>>
    tpu.enqueue_dma source(%arg10 : memref<64x512xf32, #tpu.memory_space<vmem>>) target(%dma_start3A_602 : memref<64x512xf32, #tpu.memory_space<hbm>>) target_semaphore(%arg16 : memref<!tpu.dma_semaphore, #tpu.memory_space<semaphore_mem>>)
    %dma_wait3A_603 = arith.constant 0 : i32
    %dma_wait3A_604 = tpu.memref_slice %arg5[%add3A_587, %dma_wait3A_603] : memref<16384x512xf32, #tpu.memory_space<hbm>> -> memref<64x512xf32, #tpu.memory_space<hbm>>
    %dma_wait3A_605 = arith.constant 0 : i32
    %dma_wait3A_606 = tpu.memref_slice %arg5[%add3A_587, %dma_wait3A_605] : memref<16384x512xf32, #tpu.memory_space<hbm>> -> memref<64x512xf32, #tpu.memory_space<hbm>>
    tpu.wait_dma2 semaphore(%arg15 : memref<!tpu.dma_semaphore, #tpu.memory_space<semaphore_mem>>) src(%arg9 : memref<64x512xf32, #tpu.memory_space<vmem>>) dst(%dma_wait3A_606 : memref<64x512xf32, #tpu.memory_space<hbm>>)
    %dma_wait3A_607 = arith.constant 0 : i32
    %dma_wait3A_608 = tpu.memref_slice %arg5[%add3A_598, %dma_wait3A_607] : memref<16384x512xf32, #tpu.memory_space<hbm>> -> memref<64x512xf32, #tpu.memory_space<hbm>>
    %dma_wait3A_609 = arith.constant 0 : i32
    %dma_wait3A_610 = tpu.memref_slice %arg5[%add3A_598, %dma_wait3A_609] : memref<16384x512xf32, #tpu.memory_space<hbm>> -> memref<64x512xf32, #tpu.memory_space<hbm>>
    tpu.wait_dma2 semaphore(%arg16 : memref<!tpu.dma_semaphore, #tpu.memory_space<semaphore_mem>>) src(%arg10 : memref<64x512xf32, #tpu.memory_space<vmem>>) dst(%dma_wait3A_610 : memref<64x512xf32, #tpu.memory_space<hbm>>)
    %dma_wait3A_611 = arith.constant 0 : i32
    %dma_wait3A_612 = tpu.memref_slice %arg5[%add3A_576, %dma_wait3A_611] : memref<16384x512xf32, #tpu.memory_space<hbm>> -> memref<64x512xf32, #tpu.memory_space<hbm>>
    %dma_wait3A_613 = arith.constant 0 : i32
    %dma_wait3A_614 = tpu.memref_slice %arg5[%add3A_576, %dma_wait3A_613] : memref<16384x512xf32, #tpu.memory_space<hbm>> -> memref<64x512xf32, #tpu.memory_space<hbm>>
    tpu.wait_dma2 semaphore(%arg17 : memref<!tpu.dma_semaphore, #tpu.memory_space<semaphore_mem>>) src(%arg11 : memref<64x512xf32, #tpu.memory_space<vmem>>) dst(%dma_wait3A_614 : memref<64x512xf32, #tpu.memory_space<hbm>>)
    return
  }
}

</mosaic_0001>

<sc_bundles>
// kernel: kernel.3.cloned.1.call-start
scs
__scs_entry_jumppad:
0x0: {  	(pc) =	sbr.rel $0x88, $3  }
0x1: {  	(tag) =	ssettag $0x0;
	lr =	simm.s32 $0x1  }
0x2: {  	[smem:$0x3F9F] =	sst lr;
	_ =	strace $0xD0000000  }
0x3: {  	_ = 	snop  }
0x4: {  	_ = 	snop  }
0x5: {  	_ = 	snop  }
0x6: {  	_ = 	snop  }
0x7: {  	_ = 	snop  }
__scs_overlays_trampoline_lowered:
0x8: {  	[smem:$0x3FAE] =	sst s0  }
0x9: {  	[smem:$0x3FAF] =	sst s1  }
0xa: {  	[smem:$0x3FB0] =	sst s2  }
0xb: {  	[smem:$0x3FB1] =	sst s3  }
0xc: {  	[smem:$0x3FB2] =	sst s4  }
0xd: {  	[smem:$0x3FB3] =	sst s5  }
0xe: {  	[smem:$0x3FB4] =	sst s6  }
0xf: {  	[smem:$0x3FB5] =	sst s7  }
0x10: {  	[smem:$0x3FB6] =	sst s8  }
0x11: {  	[smem:$0x3FB7] =	sst s9;
	s0 =	simm.s32 @!p0 $0x0  }
0x12: {  	s1 =	sld [smem:$0x3F9D];
	s0 =	simm.s32 @p0 $0x1  }
0x13: {  	[smem:$0x3FB8] =	sst s0;
	s0 =	simm.s32 @!p1 $0x0  }
0x14: {  	s2 =	sld [smem:$0x3F9C];
	s0 =	simm.s32 @p1 $0x1  }
0x15: {  	[smem:$0x3FB9] =	sst s0;
	s0 =	simm.s32 @!p2 $0x0  }
0x16: {  	s3 =	sld [smem:$0x3FDB];
	s0 =	simm.s32 @p2 $0x1  }
0x17: {  	s4 =	simm.s32 $0x1BF5;
	[smem:$0x3FBB] =	sst s0  }
0x18: {  	s0 =	sld [smem:$0x3F9E];
	_ =	swait.ge [sflag:s4], $0x0  }
0x19: {  	s7 =	sld [smem:$0x3F9F]  }
0x1a: {  	s8 =	sadd.s32 $0xFFFFE003, lr  }
0x1b: {  	s9 =	sadd.s32 $0xFFFFFEF7, lr;
	s5 =	simm.s32 $0xFFFFFFFF;
	p2 =	slt.u32 s8, $0xFFFFF086  }
0x1c: {  	p1 =	slt.u32 s9, $0xF7A;
	s5 =	simm.s32 @!p2 $0x0  }
0x1d: {  	s5 =	simm.s32 @p1 $0x1;
	p0 =	seq.s32 s7, s2  }
0x1e: {  	s7 =	smul.u32 @!p0 $0xF7A, s2;
	p2 =	seq.s32 @!p0 s5, $0x0  }
0x1f: {  	s9 =	smul.u32 $0xF7A, s1;
	s8 =	simm.s32 @!p0 $0x1BF5;
	p2 =	por !p2, p0  }
0x20: {  	[sflag:s8] =	ssyncset.s32 @!p0 $0xFFFFF086;
	s6 =	sadd.s32 @!p0 s3, s7;
	s7 =	simm.s32 @!p0 $0x108  }
0x21: {  	s3 =	sadd.s32 s3, s9;
	s6 =	sadd.s32 @!p0 $0x88, s6;
	s7 =	simm.s32 @p2 $0x1082  }
0x22: {  	[simem:s7], [sflag:s8] =	dma.local @!p0 [hbm:s6], $0xF7A  }
0x23: {  	s9 =	sor.u32 $0xD0000000, s2;
	s6 =	simm.s32 $0x108;
	_ =	swait.ge @!p0 [sflag:s8], $0x0  }
0x24: {  	s3 =	sadd.s32 $0x88, s3;
	s6 =	simm.s32 @!p1 $0x1082;
	[sflag:s4] =	ssyncset.s32 $0xFFFFF086  }
0x25: {  	[simem:s6], [sflag:s4] =	dma.local [hbm:s3], $0xF7A  }
0x26: {  	[smem:$0x3F9F] =	sst s1;
	(tag) =	ssettag s2;
	_ =	strace s9  }
0x27: {  	s1 =	sld [smem:$0x3FAF]  }
0x28: {  	s2 =	sld [smem:$0x3FB0]  }
0x29: {  	s4 =	sld [smem:$0x3FB2]  }
0x2a: {  	p0 =	seq.s32 s5, $0x0;
	s5 =	sld [smem:$0x3FB3]  }
0x2b: {  	s6 =	sld [smem:$0x3FB4]  }
0x2c: {  	s7 =	sld [smem:$0x3FB5]  }
0x2d: {  	s3 =	simm.s32 $0x108;
	s8 =	sld [smem:$0x3FB6]  }
0x2e: {  	s3 =	simm.s32 @!p0 $0x1082;
	s9 =	sld [smem:$0x3FB7]  }
0x2f: {  	lr =	sadd.s32 s0, s3;
	s0 =	sld [smem:$0x3FAE]  }
0x30: {  	s3 =	sld [smem:$0x3FB1]  }
0x31: {  	[smem:$0x3FBA] =	sst s10  }
0x32: {  	s10 =	sld [smem:$0x3FB8];
	_ =	sdelay $0x3  }
0x33: {  	p0 =	seq.s32 s10, $0x1;
	s10 =	sld [smem:$0x3FBA];
	_ =	sdelay $0x3  }
0x34: {  	[smem:$0x3FBA] =	sst s10  }
0x35: {  	s10 =	sld [smem:$0x3FB9];
	_ =	sdelay $0x3  }
0x36: {  	p1 =	seq.s32 s10, $0x1;
	s10 =	sld [smem:$0x3FBA];
	_ =	sdelay $0x3  }
0x37: {  	[smem:$0x3FBA] =	sst s10  }
0x38: {  	s10 =	sld [smem:$0x3FBB]  }
0x39: {  	_ = 	snop;
	(pc) =	sbr.ind lr, $3  }
0x3a: {  	_ = 	snop  }
0x3b: {  	_ = 	snop  }
0x3c: {  	p2 =	seq.s32 s10, $0x1;
	s10 =	sld [smem:$0x3FBA]  }
0x3d: {  	_ =	shalt  }
0x3e: {  	_ =	shalt  }
0x3f: {  	_ =	shalt  }
0x40: {  	_ =	shalt  }
0x41: {  	_ =	shalt  }
0x42: {  	_ =	shalt  }
0x43: {  	_ =	shalt  }
0x44: {  	_ =	shalt  }
0x45: {  	_ =	shalt  }
0x46: {  	_ =	shalt  }
0x47: {  	_ =	shalt  }
0x48: {  	_ =	shalt  }
0x49: {  	_ =	shalt  }
0x4a: {  	_ =	shalt  }
0x4b: {  	_ =	shalt  }
0x4c: {  	_ =	shalt  }
0x4d: {  	_ =	shalt  }
0x4e: {  	_ =	shalt  }
0x4f: {  	_ =	shalt  }
0x50: {  	_ =	shalt  }
0x51: {  	_ =	shalt  }
0x52: {  	_ =	shalt  }
0x53: {  	_ =	shalt  }
0x54: {  	_ =	shalt  }
0x55: {  	_ =	shalt  }
0x56: {  	_ =	shalt  }
0x57: {  	_ =	shalt  }
0x58: {  	_ =	shalt  }
0x59: {  	_ =	shalt  }
0x5a: {  	_ =	shalt  }
0x5b: {  	_ =	shalt  }
0x5c: {  	_ =	shalt  }
0x5d: {  	_ =	shalt  }
0x5e: {  	_ =	shalt  }
0x5f: {  	_ =	shalt  }
0x60: {  	_ =	shalt  }
0x61: {  	_ =	shalt  }
0x62: {  	_ =	shalt  }
0x63: {  	_ =	shalt  }
0x64: {  	_ =	shalt  }
0x65: {  	_ =	shalt  }
0x66: {  	_ =	shalt  }
0x67: {  	_ =	shalt  }
0x68: {  	_ =	shalt  }
0x69: {  	_ =	shalt  }
0x6a: {  	_ =	shalt  }
0x6b: {  	_ =	shalt  }
0x6c: {  	_ =	shalt  }
0x6d: {  	_ =	shalt  }
0x6e: {  	_ =	shalt  }
0x6f: {  	_ =	shalt  }
0x70: {  	_ =	shalt  }
0x71: {  	_ =	shalt  }
0x72: {  	_ =	shalt  }
0x73: {  	_ =	shalt  }
0x74: {  	_ =	shalt  }
0x75: {  	_ =	shalt  }
0x76: {  	_ =	shalt  }
0x77: {  	_ =	shalt  }
0x78: {  	_ =	shalt  }
0x79: {  	_ =	shalt  }
0x7a: {  	_ =	shalt  }
0x7b: {  	_ =	shalt  }
0x7c: {  	_ =	shalt  }
0x7d: {  	_ =	shalt  }
0x7e: {  	_ =	shalt  }
0x7f: {  	_ =	shalt  }
0x80: {  	_ =	shalt  }
0x81: {  	_ =	shalt  }
0x82: {  	_ =	shalt  }
0x83: {  	_ =	shalt  }
0x84: {  	_ =	shalt  }
0x85: {  	_ =	shalt  }
0x86: {  	_ =	shalt  }
0x87: {  	_ =	shalt  }
.Lfunc_end0:
.L_simem_size_0:
called_computation_lowered:
.L_overlay_start_0:
0x88: {  	s2 =	sld [smem:$0x3FD9]  }
0x89: {  	s3 =	sld [smem:$0x3FFE];
	_ =	sdelay $0x1  }
0x8a: {  	s1 =	srdreg.scid  }
0x8b: {  	s0 =	sand.u32 $0x1, s1  }
0x8c: {  	s17 =	sshll.u32 s0, $0xA;
	s2 =	sadd.s32 s3, s2  }
0x8d: {  	s2 =	sadd.s32 s2, s17  }
0x8e: {  	[smem:$0x3FC6] =	sst s2  }
0x8f: {  	_ = 	snop  }
0x90: {  	s2 =	sld [smem:$0x3FC8]  }
0x91: {  	s18 =	sld [smem:$0x3FD0];
	(tm) =	ssettm $0x1  }
0x92: {  	s4 =	sld [smem:$0x3FFB];
	_ =	sdelay $0x3  }
0x93: {  	_ =	strace s4  }
0x94: {  	s4 =	sld [smem:$0x3FFC];
	_ =	sdelay $0x3  }
0x95: {  	_ =	strace s4  }
0x96: {  	s4 =	sld [smem:$0x3FFD];
	_ =	sdelay $0x3  }
0x97: {  	_ =	strace s4  }
0x98: {  	_ =	strace $0x8FFFFFFF  }
0x99: {  	s19 =	sld [smem:$0x3FDB];
	_ =	sdelay $0x1  }
0x9a: {  	s5 =	simm.s32 $_scs_section_size  }
0x9b: {  	s6 =	simm.s32 $_size__tile_overlayer_lowered;
	s7 =	simm.s32 $_tile_overlayer_lowered  }
0x9c: {  	s22 =	simm.s32 $0x1BFF;
	s21 =	sshll.u32 s7, $0x1;
	s4 =	sadd.s32 s5, s19  }
0x9d: {  	s8 =	simm.s32 $0x0;
	s20 =	sshll.u32 s6, $0x1;
	s6 =	sadd.s32 s21, s4  }
0x9e: {  	[timem:s8], [sflag:s22] =	dma.local [hbm:s6], s20  }
0x9f: {  	_ =	swait.ge [sflag:s22], s20  }
0xa0: {  	s5 =	ssub.s32 $0x0, s20;
	[sflag:s22] =	ssyncset.done $0x0  }
0xa1: {  	[sflag:s22] =	ssyncadd.s32 s5;
	_ =	sdelay $0x1  }
0xa2: {  	s23 =	simm.s32 $0x1B8B  }
0xa3: {  	_ =	swait.ge [sflag:s23], $0x1  }
0xa4: {  	[sflag:s23] =	ssyncset.done $0x0  }
0xa5: {  	s25 =	simm.s32 $0x1B8E;
	s24 =	sld [smem:$0x3FFE];
	[sflag:s23] =	ssyncadd.s32 $0xFFFFFFFF  }
0xa6: {  	s26 =	simm.s32 $execute0_lowered;
	[smem:$0x3FD2] =	sst s25  }
0xa7: {  	s6 =	sshll.u32 s26, $0x1;
	_ =	strace $0x80000046;
	[dreg:$0x1] =	wrdreg $0xFFFFFFFF  }
0xa8: {  	s28 =	simm.s32 $_size_execute0_lowered;
	s4 =	sadd.s32 s4, s6;
	[dreg:$0x0] =	wrdreg $0x0  }
0xa9: {  	s6 =	sshll.u32 s28, $0x1;
	[dreg:$0x2] =	wrdreg s4  }
0xaa: {  	[dreg:$0x3] =	wrdreg s6  }
0xab: {  	[dreg:$0x4] =	wrdreg $0xC0  }
0xac: {  	_ =	task [dreg:s8], $0x5FFFF  }
0xad: {  	[dreg:$0x1] =	wrdreg $0xFFFFFFFF  }
0xae: {  	[dreg:$0x0] =	wrdreg $0x60  }
0xaf: {  	[dreg:$0x2] =	wrdreg s24  }
0xb0: {  	[dreg:$0x3] =	wrdreg s2  }
0xb1: {  	[dreg:$0x4] =	wrdreg s18  }
0xb2: {  	[dreg:$0x5] =	wrdreg $0x9  }
0xb3: {  	_ =	task.clear_ibuf [dreg:s8], $0x6FFFF;
	_ =	strace $0x90000046  }
0xb4: {  	s29 =	simm.s32 $0x9;
	_ =	strace $0x80000048  }
0xb5: {  	_ =	swait.ge [sflag:s29], $0x1  }
0xb6: {  	[sflag:s29] =	ssyncadd.s32 $0xFFFFFFFF  }
0xb7: {  	_ =	strace $0x90000048  }
0xb8: {  	_ =	sfence  }
0xb9: {  	s30 =	sld [smem:$0x0];
	_ =	sdelay $0x2  }
0xba: {  	s31 =	sshll.u32 s1, $0xD;
	s1 =	sshrl.u32 s1, $0x2  }
0xbb: {  	s3 =	sand.u32 $0x4000, s31;
	s1 =	sadd.s32 s1, s30  }
0xbc: {  	s0 =	sor.u32 s3, s0;
	s1 =	sshll.u32 s1, $0x11  }
0xbd: {  	s0 =	sor.u32 s1, s0  }
0xbe: {  	s0 =	sadd.s32 $0x8F2B, s0  }
0xbf: {  	[sflag:s0] =	ssyncadd.remote.s32 $0x1  }
0xc0: {  	_ =	sfence.sel $0xFFFF  }
0xc1: {  	[dreg:$0x0] =	wrdreg $0xFFFFFFFF;
	(pc) =	sbr.abs _section_cstart, $3  }
0xc2: {  	[dreg:$0x1] =	wrdreg $0xFFFFFFFF  }
0xc3: {  	_ =	task.clear_ibuf [dreg:s8], $0x2FFFF;
	_ =	strace $0x9FFFFFFF  }
0xc4: {  	(tm) =	ssettm $0x7FFFFFFF  }
0xc5: {  	_ =	shalt  }
tec
execute0_lowered:
.L_overlay_start_1:
0x0: {  	(tag) =	ssettag $0x1  }
0x1: {  	s1 =	rddreg [dreg:$0x0]  }
0x2: {  	s0 =	srdreg.scid;
	s2 =	rddreg [dreg:$0x1]  }
0x3: {  	s3 =	stileid.u32;
	s5 =	rddreg [dreg:$0x2]  }
0x4: {  	s26 =	simm.s32 $0x200;
	s7 =	simm.s32 $0x1;
	s8 =	simm.s32 $0x2  }
0x5: {  	s31 =	simm.s32 $0x8600;
	s9 =	simm.s32 $0x10600;
	s15 =	simm.s32 $0x10E00  }
0x6: {  	s16 =	simm.s32 $0x11600;
	s17 =	simm.s32 $0x11E00;
	s0 =	sand.u32 $0x1, s0  }
0x7: {  	s10 =	simm.s32 $0x13E00;
	s3 =	sshll.u32 s3, $0xA;
	s4 =	sshll.u32 s0, $0x9  }
0x8: {  	s11 =	simm.s32 $0x14600;
	s12 =	simm.s32 $0x14E00;
	s4 =	sor.u32 s4, s3  }
0x9: {  	s13 =	simm.s32 $0x15600;
	s3 =	simm.s32 $0x0;
	s6 =	sshrl.u32 s4, $0x3  }
0xa: {  	[smem:$0x7FF] =	sst s3;
	s4 =	sshll.u32 s4, $0x6;
	s1 =	sadd.s32 s6, s1  }
0xb: {  	_ =	strace $0x80000047;
	s5 =	sadd.s32 s5, s4;
	[dreg:$0xd] =	wrdreg s26  }
0xc: {  	s14 =	simm.s32 $0x15E00;
	s6 =	sadd.s32 $0xE00, s1;
	[dreg:$0xe] =	wrdreg s5  }
0xd: {  	s28 =	simm.s32 $0x16E00;
	s1 =	sadd.s32 $0x600, s1;
	[dreg:$0x4] =	wrdreg s6  }
0xe: {  	s29 =	simm.s32 $0x17600;
	s18 =	sadd.s32 $0x1000, s5;
	[dreg:$0x5] =	wrdreg s1  }
0xf: {  	s30 =	simm.s32 $0x17E00;
	s19 =	sadd.s32 $0x2000, s5;
	[dreg:$0x6] =	wrdreg s18  }
0x10: {  	s0 =	ssub.s32 $0x2, s0;
	s20 =	sadd.s32 $0x3000, s5;
	[dreg:$0x7] =	wrdreg s19  }
0x11: {  	s24 =	sshrl.u32 s0, $0x1;
	s21 =	sadd.s32 $0x4000, s5;
	[dreg:$0x8] =	wrdreg s20  }
0x12: {  	s0 =	ssub.s32 s0, s24;
	s22 =	sadd.s32 $0x5000, s5;
	[dreg:$0x9] =	wrdreg s21  }
0x13: {  	s4 =	simm.s32 $0x13600;
	s23 =	sadd.s32 $0x6000, s5;
	[dreg:$0xa] =	wrdreg s22  }
0x14: {  	s26 =	simm.s32 $0x16600;
	s25 =	sadd.s32 $0x7000, s5;
	[dreg:$0xb] =	wrdreg s23  }
0x15: {  	v2 =	vlaneseq.u32;
	s5 =	sadd.s32 $0x100, s2;
	[dreg:$0xc] =	wrdreg s25;
	s6 =	smax.u32 s0, $0x1  }
0x16: {  	vm0 =	vmmov $0xffff;
	v1 =	vshrl.u32 v2, $0x3;
	s18 =	simm.s32 $0x4;
	s19 =	simm.s32 $0x5;
	s20 =	simm.s32 $0x3  }
0x17: {  	v0 =	vand.u32 $0x7, v2;
	v2 =	vor.u32 $0x8, v2;
	v1 =	vmul.u32 $0x8, v1;
	s21 =	simm.s32 $0x6;
	s0 =	simm.s32 $0x600;
	s25 =	simm.s32 $0x12600  }
.LBB2_1:
0x18: {  	s22 =	rddreg [dreg:$0x4]  }
0x19: {  	s23 =	rddreg [dreg:$0x5]  }
0x1a: {  	[tilespmem:s3], [sflag:$0x1] =	stream.linear.gather [hbm4b:s22+s3], $0x200, $0x38;
	[tilespmem:$0x18600] =	vst v63  }
0x1b: {  	s24 =	rddreg [dreg:$0xd]  }
0x1c: {  	[tilespmem:s24], [sflag:$0x2] =	stream.linear.gather [hbm4b:s23+s3], $0x200, $0x38;
	[tilespmem:$0x18600] =	vst v63  }
0x1d: {  	_ =	swait.ge [sflag:s7], $0x200  }
0x1e: {  	[sflag:s7] =	ssyncset.done $0x0  }
0x1f: {  	[sflag:s7] =	ssyncadd.s32 $0xFFFFFE00  }
0x20: {  	_ =	swait.ge [sflag:s8], $0x200  }
0x21: {  	[sflag:s8] =	ssyncset.done $0x0  }
0x22: {  	[sflag:s8] =	ssyncadd.s32 $0xFFFFFE00  }
0x23: {  	v3 =	vld [tilespmem:$0x0]  }
0x24: {  	v4 =	vld [tilespmem:$0x200];
	_ =	sdelay $0x3  }
0x25: {  	v5 =	vld [tilespmem:$0x10];
	v3 =	vshll.u32 v3, $0x9  }
0x26: {  	v6 =	vld [tilespmem:$0x210];
	v3 =	vadd.s32 v4, v3  }
0x27: {  	v7 =	vld [tilespmem:$0x20];
	v8 =	vshll.u32 v3, $0x2  }
0x28: {  	v9 =	vld [tilespmem:$0x220];
	v4 =	vand.u32 $0x7, v4;
	v8 =	vand.u32 $0xFFFFFFE0, v8  }
0x29: {  	v10 =	vld [tilespmem:$0x30];
	v4 =	vor.u32 v4, v8  }
0x2a: {  	v14 =	vld [tilespmem:$0x230];
	v11 =	vperm.xlane v4, v0;
	_ =	sdelay $0x1  }
0x2b: {  	v5 =	vshll.u32 v5, $0x9;
	v11 =	vadd.s32 v1, v11  }
0x2c: {  	v15 =	vshll.u32 v7, $0x9;
	[tilespmem:$0x400] =	vst v3;
	v3 =	vadd.s32 v6, v5  }
0x2d: {  	v16 =	vshll.u32 v10, $0x9;
	[tilespmem:$0x410] =	vst v3;
	v3 =	vadd.s32 v9, v15;
	v4 =	vperm.xlane v4, v2  }
0x2e: {  	[tilespmem:$0x420] =	vst v3;
	v3 =	vadd.s32 v14, v16  }
0x2f: {  	[tilespmem:$0x430] =	vst v3;
	v3 =	vadd.s32 v1, v4  }
0x30: {  	[tilespmem:s0], [sflag:$0x1] =	stream.indirect_vreg.gather [hbm4b:s2+s3], $0x80, v11, vm0, $0xb8;
	[tilespmem:$0x18600] =	vst v63  }
0x31: {  	s23 =	simm.s32 $0xE00  }
0x32: {  	[tilespmem:s23], [sflag:$0x1] =	stream.indirect_vreg.gather [hbm4b:s5+s3], $0x80, v11, vm0, $0xb8;
	[tilespmem:$0x18600] =	vst v63  }
0x33: {  	s24 =	simm.s32 $0x1600  }
0x34: {  	[tilespmem:s24], [sflag:$0x1] =	stream.indirect_vreg.gather [hbm4b:s2+s3], $0x80, v3, vm0, $0xb8;
	[tilespmem:$0x18600] =	vst v63  }
0x35: {  	s1 =	simm.s32 $0x1E00  }
0x36: {  	[tilespmem:s1], [sflag:$0x1] =	stream.indirect_vreg.gather [hbm4b:s5+s3], $0x80, v3, vm0, $0xb8;
	[tilespmem:$0x18600] =	vst v63  }
0x37: {  	v3 =	vld [tilespmem:$0x410];
	_ =	sdelay $0x4  }
0x38: {  	v17 =	vshll.u32 v3, $0x2  }
0x39: {  	v3 =	vand.u32 $0x7, v3;
	v4 =	vand.u32 $0xFFFFFFE0, v17  }
0x3a: {  	v3 =	vor.u32 v3, v4  }
0x3b: {  	v4 =	vperm.xlane v3, v0;
	_ =	sdelay $0x1  }
0x3c: {  	v4 =	vadd.s32 v1, v4;
	_ =	sdelay $0x1  }
0x3d: {  	v3 =	vperm.xlane v3, v2;
	_ =	sdelay $0x1  }
0x3e: {  	s22 =	simm.s32 $0x2600;
	v3 =	vadd.s32 v1, v3  }
0x3f: {  	[tilespmem:s22], [sflag:$0x1] =	stream.indirect_vreg.gather [hbm4b:s2+s3], $0x80, v4, vm0, $0xb8;
	[tilespmem:$0x18600] =	vst v63  }
0x40: {  	s22 =	simm.s32 $0x2E00  }
0x41: {  	[tilespmem:s22], [sflag:$0x1] =	stream.indirect_vreg.gather [hbm4b:s5+s3], $0x80, v4, vm0, $0xb8;
	[tilespmem:$0x18600] =	vst v63  }
0x42: {  	s22 =	simm.s32 $0x3600  }
0x43: {  	[tilespmem:s22], [sflag:$0x1] =	stream.indirect_vreg.gather [hbm4b:s2+s3], $0x80, v3, vm0, $0xb8;
	[tilespmem:$0x18600] =	vst v63  }
0x44: {  	s22 =	simm.s32 $0x3E00  }
0x45: {  	[tilespmem:s22], [sflag:$0x1] =	stream.indirect_vreg.gather [hbm4b:s5+s3], $0x80, v3, vm0, $0xb8;
	[tilespmem:$0x18600] =	vst v63  }
0x46: {  	v3 =	vld [tilespmem:$0x420];
	_ =	sdelay $0x4  }
0x47: {  	v18 =	vshll.u32 v3, $0x2  }
0x48: {  	v3 =	vand.u32 $0x7, v3;
	v4 =	vand.u32 $0xFFFFFFE0, v18  }
0x49: {  	v3 =	vor.u32 v3, v4  }
0x4a: {  	v4 =	vperm.xlane v3, v0;
	_ =	sdelay $0x1  }
0x4b: {  	v4 =	vadd.s32 v1, v4;
	_ =	sdelay $0x1  }
0x4c: {  	v3 =	vperm.xlane v3, v2;
	_ =	sdelay $0x1  }
0x4d: {  	s22 =	simm.s32 $0x4600;
	v3 =	vadd.s32 v1, v3  }
0x4e: {  	[tilespmem:s22], [sflag:$0x1] =	stream.indirect_vreg.gather [hbm4b:s2+s3], $0x80, v4, vm0, $0xb8;
	[tilespmem:$0x18600] =	vst v63  }
0x4f: {  	s22 =	simm.s32 $0x4E00  }
0x50: {  	[tilespmem:s22], [sflag:$0x1] =	stream.indirect_vreg.gather [hbm4b:s5+s3], $0x80, v4, vm0, $0xb8;
	[tilespmem:$0x18600] =	vst v63  }
0x51: {  	s22 =	simm.s32 $0x5600  }
0x52: {  	[tilespmem:s22], [sflag:$0x1] =	stream.indirect_vreg.gather [hbm4b:s2+s3], $0x80, v3, vm0, $0xb8;
	[tilespmem:$0x18600] =	vst v63  }
0x53: {  	s22 =	simm.s32 $0x5E00  }
0x54: {  	[tilespmem:s22], [sflag:$0x1] =	stream.indirect_vreg.gather [hbm4b:s5+s3], $0x80, v3, vm0, $0xb8;
	[tilespmem:$0x18600] =	vst v63  }
0x55: {  	v3 =	vld [tilespmem:$0x430];
	_ =	sdelay $0x4  }
0x56: {  	v19 =	vshll.u32 v3, $0x2  }
0x57: {  	v3 =	vand.u32 $0x7, v3;
	v4 =	vand.u32 $0xFFFFFFE0, v19  }
0x58: {  	v3 =	vor.u32 v3, v4  }
0x59: {  	v4 =	vperm.xlane v3, v0;
	_ =	sdelay $0x1  }
0x5a: {  	v4 =	vadd.s32 v1, v4;
	_ =	sdelay $0x1  }
0x5b: {  	v3 =	vperm.xlane v3, v2;
	_ =	sdelay $0x1  }
0x5c: {  	s22 =	simm.s32 $0x6600;
	v3 =	vadd.s32 v1, v3  }
0x5d: {  	[tilespmem:s22], [sflag:$0x1] =	stream.indirect_vreg.gather [hbm4b:s2+s3], $0x80, v4, vm0, $0xb8;
	[tilespmem:$0x18600] =	vst v63  }
0x5e: {  	s22 =	simm.s32 $0x6E00  }
0x5f: {  	[tilespmem:s22], [sflag:$0x1] =	stream.indirect_vreg.gather [hbm4b:s5+s3], $0x80, v4, vm0, $0xb8;
	[tilespmem:$0x18600] =	vst v63  }
0x60: {  	s22 =	simm.s32 $0x7600  }
0x61: {  	[tilespmem:s22], [sflag:$0x1] =	stream.indirect_vreg.gather [hbm4b:s2+s3], $0x80, v3, vm0, $0xb8;
	[tilespmem:$0x18600] =	vst v63  }
0x62: {  	s22 =	simm.s32 $0x7E00  }
0x63: {  	[tilespmem:s22], [sflag:$0x1] =	stream.indirect_vreg.gather [hbm4b:s5+s3], $0x80, v3, vm0, $0xb8;
	[tilespmem:$0x18600] =	vst v63  }
0x64: {  	v3 =	vld [tilespmem:$0x40]  }
0x65: {  	v4 =	vld [tilespmem:$0x240];
	_ =	sdelay $0x3  }
0x66: {  	v20 =	vld [tilespmem:$0x50];
	v3 =	vshll.u32 v3, $0x9  }
0x67: {  	v21 =	vld [tilespmem:$0x250];
	v3 =	vadd.s32 v4, v3  }
0x68: {  	v22 =	vld [tilespmem:$0x60];
	v23 =	vshll.u32 v3, $0x2  }
0x69: {  	v24 =	vld [tilespmem:$0x260];
	v4 =	vand.u32 $0x7, v4;
	v8 =	vand.u32 $0xFFFFFFE0, v23  }
0x6a: {  	v25 =	vld [tilespmem:$0x70];
	v4 =	vor.u32 v4, v8  }
0x6b: {  	v26 =	vld [tilespmem:$0x270];
	v27 =	vperm.xlane v4, v0;
	_ =	sdelay $0x1  }
0x6c: {  	v5 =	vshll.u32 v20, $0x9;
	v11 =	vadd.s32 v1, v27  }
0x6d: {  	v28 =	vshll.u32 v22, $0x9;
	[tilespmem:$0x440] =	vst v3;
	v3 =	vadd.s32 v21, v5  }
0x6e: {  	v29 =	vshll.u32 v25, $0x9;
	[tilespmem:$0x450] =	vst v3;
	v3 =	vadd.s32 v24, v28;
	v4 =	vperm.xlane v4, v2  }
0x6f: {  	[tilespmem:$0x460] =	vst v3;
	v3 =	vadd.s32 v26, v29  }
0x70: {  	[tilespmem:$0x470] =	vst v3;
	v3 =	vadd.s32 v1, v4  }
0x71: {  	[tilespmem:s31], [sflag:$0x2] =	stream.indirect_vreg.gather [hbm4b:s2+s3], $0x80, v11, vm0, $0xb8;
	[tilespmem:$0x18600] =	vst v63  }
0x72: {  	s22 =	simm.s32 $0x8E00  }
0x73: {  	[tilespmem:s22], [sflag:$0x2] =	stream.indirect_vreg.gather [hbm4b:s5+s3], $0x80, v11, vm0, $0xb8;
	[tilespmem:$0x18600] =	vst v63  }
0x74: {  	s22 =	simm.s32 $0x9600  }
0x75: {  	[tilespmem:s22], [sflag:$0x2] =	stream.indirect_vreg.gather [hbm4b:s2+s3], $0x80, v3, vm0, $0xb8;
	[tilespmem:$0x18600] =	vst v63  }
0x76: {  	s22 =	simm.s32 $0x9E00  }
0x77: {  	[tilespmem:s22], [sflag:$0x2] =	stream.indirect_vreg.gather [hbm4b:s5+s3], $0x80, v3, vm0, $0xb8;
	[tilespmem:$0x18600] =	vst v63  }
0x78: {  	v3 =	vld [tilespmem:$0x450];
	_ =	sdelay $0x4  }
0x79: {  	v30 =	vshll.u32 v3, $0x2  }
0x7a: {  	v3 =	vand.u32 $0x7, v3;
	v4 =	vand.u32 $0xFFFFFFE0, v30  }
0x7b: {  	v3 =	vor.u32 v3, v4  }
0x7c: {  	v4 =	vperm.xlane v3, v0;
	_ =	sdelay $0x1  }
0x7d: {  	v4 =	vadd.s32 v1, v4;
	_ =	sdelay $0x1  }
0x7e: {  	v3 =	vperm.xlane v3, v2;
	_ =	sdelay $0x1  }
0x7f: {  	s22 =	simm.s32 $0xA600;
	v3 =	vadd.s32 v1, v3  }
0x80: {  	[tilespmem:s22], [sflag:$0x2] =	stream.indirect_vreg.gather [hbm4b:s2+s3], $0x80, v4, vm0, $0xb8;
	[tilespmem:$0x18600] =	vst v63  }
0x81: {  	s22 =	simm.s32 $0xAE00  }
0x82: {  	[tilespmem:s22], [sflag:$0x2] =	stream.indirect_vreg.gather [hbm4b:s5+s3], $0x80, v4, vm0, $0xb8;
	[tilespmem:$0x18600] =	vst v63  }
0x83: {  	s22 =	simm.s32 $0xB600  }
0x84: {  	[tilespmem:s22], [sflag:$0x2] =	stream.indirect_vreg.gather [hbm4b:s2+s3], $0x80, v3, vm0, $0xb8;
	[tilespmem:$0x18600] =	vst v63  }
0x85: {  	s22 =	simm.s32 $0xBE00  }
0x86: {  	[tilespmem:s22], [sflag:$0x2] =	stream.indirect_vreg.gather [hbm4b:s5+s3], $0x80, v3, vm0, $0xb8;
	[tilespmem:$0x18600] =	vst v63  }
0x87: {  	v3 =	vld [tilespmem:$0x460];
	_ =	sdelay $0x4  }
0x88: {  	v31 =	vshll.u32 v3, $0x2  }
0x89: {  	v3 =	vand.u32 $0x7, v3;
	v4 =	vand.u32 $0xFFFFFFE0, v31  }
0x8a: {  	v3 =	vor.u32 v3, v4  }
0x8b: {  	v4 =	vperm.xlane v3, v0;
	_ =	sdelay $0x1  }
0x8c: {  	v4 =	vadd.s32 v1, v4;
	_ =	sdelay $0x1  }
0x8d: {  	v3 =	vperm.xlane v3, v2;
	_ =	sdelay $0x1  }
0x8e: {  	s22 =	simm.s32 $0xC600;
	v3 =	vadd.s32 v1, v3  }
0x8f: {  	[tilespmem:s22], [sflag:$0x2] =	stream.indirect_vreg.gather [hbm4b:s2+s3], $0x80, v4, vm0, $0xb8;
	[tilespmem:$0x18600] =	vst v63  }
0x90: {  	s22 =	simm.s32 $0xCE00  }
0x91: {  	[tilespmem:s22], [sflag:$0x2] =	stream.indirect_vreg.gather [hbm4b:s5+s3], $0x80, v4, vm0, $0xb8;
	[tilespmem:$0x18600] =	vst v63  }
0x92: {  	s22 =	simm.s32 $0xD600  }
0x93: {  	[tilespmem:s22], [sflag:$0x2] =	stream.indirect_vreg.gather [hbm4b:s2+s3], $0x80, v3, vm0, $0xb8;
	[tilespmem:$0x18600] =	vst v63  }
0x94: {  	s22 =	simm.s32 $0xDE00  }
0x95: {  	[tilespmem:s22], [sflag:$0x2] =	stream.indirect_vreg.gather [hbm4b:s5+s3], $0x80, v3, vm0, $0xb8;
	[tilespmem:$0x18600] =	vst v63  }
0x96: {  	v3 =	vld [tilespmem:$0x470];
	_ =	sdelay $0x4  }
0x97: {  	v32 =	vshll.u32 v3, $0x2  }
0x98: {  	v3 =	vand.u32 $0x7, v3;
	v4 =	vand.u32 $0xFFFFFFE0, v32  }
0x99: {  	v3 =	vor.u32 v3, v4  }
0x9a: {  	v4 =	vperm.xlane v3, v0;
	_ =	sdelay $0x1  }
0x9b: {  	v4 =	vadd.s32 v1, v4;
	_ =	sdelay $0x1  }
0x9c: {  	v3 =	vperm.xlane v3, v2;
	_ =	sdelay $0x1  }
0x9d: {  	s22 =	simm.s32 $0xE600;
	v3 =	vadd.s32 v1, v3  }
0x9e: {  	[tilespmem:s22], [sflag:$0x2] =	stream.indirect_vreg.gather [hbm4b:s2+s3], $0x80, v4, vm0, $0xb8;
	[tilespmem:$0x18600] =	vst v63  }
0x9f: {  	s22 =	simm.s32 $0xEE00  }
0xa0: {  	[tilespmem:s22], [sflag:$0x2] =	stream.indirect_vreg.gather [hbm4b:s5+s3], $0x80, v4, vm0, $0xb8;
	[tilespmem:$0x18600] =	vst v63  }
0xa1: {  	s22 =	simm.s32 $0xF600  }
0xa2: {  	[tilespmem:s22], [sflag:$0x2] =	stream.indirect_vreg.gather [hbm4b:s2+s3], $0x80, v3, vm0, $0xb8;
	[tilespmem:$0x18600] =	vst v63  }
0xa3: {  	s22 =	simm.s32 $0xFE00  }
0xa4: {  	[tilespmem:s22], [sflag:$0x2] =	stream.indirect_vreg.gather [hbm4b:s5+s3], $0x80, v3, vm0, $0xb8;
	[tilespmem:$0x18600] =	vst v63  }
0xa5: {  	v3 =	vld [tilespmem:$0x80]  }
0xa6: {  	v4 =	vld [tilespmem:$0x280];
	_ =	sdelay $0x3  }
0xa7: {  	v33 =	vld [tilespmem:$0x90];
	v3 =	vshll.u32 v3, $0x9  }
0xa8: {  	v34 =	vld [tilespmem:$0x290];
	v3 =	vadd.s32 v4, v3  }
0xa9: {  	v35 =	vld [tilespmem:$0xA0];
	v36 =	vshll.u32 v3, $0x2  }
0xaa: {  	v37 =	vld [tilespmem:$0x2A0];
	v4 =	vand.u32 $0x7, v4;
	v8 =	vand.u32 $0xFFFFFFE0, v36  }
0xab: {  	v38 =	vld [tilespmem:$0xB0];
	v4 =	vor.u32 v4, v8  }
0xac: {  	v39 =	vld [tilespmem:$0x2B0];
	v40 =	vperm.xlane v4, v0;
	_ =	sdelay $0x1  }
0xad: {  	v5 =	vshll.u32 v33, $0x9;
	v11 =	vadd.s32 v1, v40  }
0xae: {  	v41 =	vshll.u32 v35, $0x9;
	[tilespmem:$0x480] =	vst v3;
	v3 =	vadd.s32 v34, v5  }
0xaf: {  	v42 =	vshll.u32 v38, $0x9;
	[tilespmem:$0x490] =	vst v3;
	v3 =	vadd.s32 v37, v41;
	v4 =	vperm.xlane v4, v2  }
0xb0: {  	[tilespmem:$0x4A0] =	vst v3;
	v3 =	vadd.s32 v39, v42  }
0xb1: {  	[tilespmem:$0x4B0] =	vst v3;
	v3 =	vadd.s32 v1, v4  }
0xb2: {  	[tilespmem:s9], [sflag:$0x3] =	stream.indirect_vreg.gather [hbm4b:s2+s3], $0x80, v11, vm0, $0xb8;
	[tilespmem:$0x18600] =	vst v63  }
0xb3: {  	_ = 	snop  }
0xb4: {  	[tilespmem:s15], [sflag:$0x3] =	stream.indirect_vreg.gather [hbm4b:s5+s3], $0x80, v11, vm0, $0xb8;
	[tilespmem:$0x18600] =	vst v63  }
0xb5: {  	_ = 	snop  }
0xb6: {  	[tilespmem:s16], [sflag:$0x3] =	stream.indirect_vreg.gather [hbm4b:s2+s3], $0x80, v3, vm0, $0xb8;
	[tilespmem:$0x18600] =	vst v63  }
0xb7: {  	_ = 	snop  }
0xb8: {  	[tilespmem:s17], [sflag:$0x3] =	stream.indirect_vreg.gather [hbm4b:s5+s3], $0x80, v3, vm0, $0xb8;
	[tilespmem:$0x18600] =	vst v63  }
0xb9: {  	v3 =	vld [tilespmem:$0x490];
	_ =	sdelay $0x4  }
0xba: {  	v43 =	vshll.u32 v3, $0x2  }
0xbb: {  	v3 =	vand.u32 $0x7, v3;
	v4 =	vand.u32 $0xFFFFFFE0, v43  }
0xbc: {  	v3 =	vor.u32 v3, v4  }
0xbd: {  	v4 =	vperm.xlane v3, v0;
	_ =	sdelay $0x1  }
0xbe: {  	v4 =	vadd.s32 v1, v4;
	_ =	sdelay $0x1  }
0xbf: {  	v3 =	vperm.xlane v3, v2;
	_ =	sdelay $0x1  }
0xc0: {  	v3 =	vadd.s32 v1, v3  }
0xc1: {  	[tilespmem:s25], [sflag:$0x3] =	stream.indirect_vreg.gather [hbm4b:s2+s3], $0x80, v4, vm0, $0xb8;
	[tilespmem:$0x18600] =	vst v63  }
0xc2: {  	s1 =	simm.s32 $0x12E00  }
0xc3: {  	[tilespmem:s1], [sflag:$0x3] =	stream.indirect_vreg.gather [hbm4b:s5+s3], $0x80, v4, vm0, $0xb8;
	[tilespmem:$0x18600] =	vst v63  }
0xc4: {  	_ = 	snop  }
0xc5: {  	[tilespmem:s4], [sflag:$0x3] =	stream.indirect_vreg.gather [hbm4b:s2+s3], $0x80, v3, vm0, $0xb8;
	[tilespmem:$0x18600] =	vst v63  }
0xc6: {  	_ = 	snop  }
0xc7: {  	[tilespmem:s10], [sflag:$0x3] =	stream.indirect_vreg.gather [hbm4b:s5+s3], $0x80, v3, vm0, $0xb8;
	[tilespmem:$0x18600] =	vst v63  }
0xc8: {  	v3 =	vld [tilespmem:$0x4A0];
	_ =	sdelay $0x4  }
0xc9: {  	v44 =	vshll.u32 v3, $0x2  }
0xca: {  	v3 =	vand.u32 $0x7, v3;
	v4 =	vand.u32 $0xFFFFFFE0, v44  }
0xcb: {  	v3 =	vor.u32 v3, v4  }
0xcc: {  	v4 =	vperm.xlane v3, v0;
	_ =	sdelay $0x1  }
0xcd: {  	v4 =	vadd.s32 v1, v4;
	_ =	sdelay $0x1  }
0xce: {  	v3 =	vperm.xlane v3, v2;
	_ =	sdelay $0x1  }
0xcf: {  	v3 =	vadd.s32 v1, v3  }
0xd0: {  	[tilespmem:s11], [sflag:$0x3] =	stream.indirect_vreg.gather [hbm4b:s2+s3], $0x80, v4, vm0, $0xb8;
	[tilespmem:$0x18600] =	vst v63  }
0xd1: {  	_ = 	snop  }
0xd2: {  	[tilespmem:s12], [sflag:$0x3] =	stream.indirect_vreg.gather [hbm4b:s5+s3], $0x80, v4, vm0, $0xb8;
	[tilespmem:$0x18600] =	vst v63  }
0xd3: {  	_ = 	snop  }
0xd4: {  	[tilespmem:s13], [sflag:$0x3] =	stream.indirect_vreg.gather [hbm4b:s2+s3], $0x80, v3, vm0, $0xb8;
	[tilespmem:$0x18600] =	vst v63  }
0xd5: {  	_ = 	snop  }
0xd6: {  	[tilespmem:s14], [sflag:$0x3] =	stream.indirect_vreg.gather [hbm4b:s5+s3], $0x80, v3, vm0, $0xb8;
	[tilespmem:$0x18600] =	vst v63  }
0xd7: {  	v3 =	vld [tilespmem:$0x4B0];
	_ =	sdelay $0x4  }
0xd8: {  	v45 =	vshll.u32 v3, $0x2  }
0xd9: {  	v3 =	vand.u32 $0x7, v3;
	v4 =	vand.u32 $0xFFFFFFE0, v45  }
0xda: {  	v3 =	vor.u32 v3, v4  }
0xdb: {  	v4 =	vperm.xlane v3, v0;
	_ =	sdelay $0x1  }
0xdc: {  	v4 =	vadd.s32 v1, v4;
	_ =	sdelay $0x1  }
0xdd: {  	v3 =	vperm.xlane v3, v2;
	_ =	sdelay $0x1  }
0xde: {  	v3 =	vadd.s32 v1, v3  }
0xdf: {  	[tilespmem:s26], [sflag:$0x3] =	stream.indirect_vreg.gather [hbm4b:s2+s3], $0x80, v4, vm0, $0xb8;
	[tilespmem:$0x18600] =	vst v63  }
0xe0: {  	_ = 	snop  }
0xe1: {  	[tilespmem:s28], [sflag:$0x3] =	stream.indirect_vreg.gather [hbm4b:s5+s3], $0x80, v4, vm0, $0xb8;
	[tilespmem:$0x18600] =	vst v63  }
0xe2: {  	_ = 	snop  }
0xe3: {  	[tilespmem:s29], [sflag:$0x3] =	stream.indirect_vreg.gather [hbm4b:s2+s3], $0x80, v3, vm0, $0xb8;
	[tilespmem:$0x18600] =	vst v63  }
0xe4: {  	_ = 	snop  }
0xe5: {  	[tilespmem:s30], [sflag:$0x3] =	stream.indirect_vreg.gather [hbm4b:s5+s3], $0x80, v3, vm0, $0xb8;
	[tilespmem:$0x18600] =	vst v63  }
0xe6: {  	_ =	swait.ge [sflag:s7], $0x8000  }
0xe7: {  	[sflag:s7] =	ssyncset.done $0x0  }
0xe8: {  	s22 =	rddreg [dreg:$0xe];
	[sflag:s7] =	ssyncadd.s32 $0xFFFF8000  }
0xe9: {  	[hbm4b:s22+s3] =	stream.linear.scatter [tilespmem:s0], [sflag:$0x4], $0x8000, $0x38;
	[tilespmem:$0x18600] =	vst v63  }
0xea: {  	_ =	swait.ge [sflag:s18], $0x8000  }
0xeb: {  	[sflag:s18] =	ssyncset.done $0x0  }
0xec: {  	[sflag:s18] =	ssyncadd.s32 $0xFFFF8000  }
0xed: {  	v3 =	vld [tilespmem:$0xC0]  }
0xee: {  	v46 =	vld [tilespmem:$0x2C0];
	_ =	sdelay $0x3  }
0xef: {  	v47 =	vld [tilespmem:$0xD0];
	v3 =	vshll.u32 v3, $0x9  }
0xf0: {  	v48 =	vld [tilespmem:$0x2D0];
	v3 =	vadd.s32 v46, v3  }
0xf1: {  	v49 =	vld [tilespmem:$0xE0];
	v50 =	vshll.u32 v3, $0x2  }
0xf2: {  	v51 =	vld [tilespmem:$0x2E0];
	v4 =	vand.u32 $0x7, v46;
	v8 =	vand.u32 $0xFFFFFFE0, v50  }
0xf3: {  	v52 =	vld [tilespmem:$0xF0];
	v4 =	vor.u32 v4, v8  }
0xf4: {  	v53 =	vld [tilespmem:$0x2F0];
	v54 =	vperm.xlane v4, v0;
	_ =	sdelay $0x1  }
0xf5: {  	v5 =	vshll.u32 v47, $0x9;
	v11 =	vadd.s32 v1, v54  }
0xf6: {  	v55 =	vshll.u32 v49, $0x9;
	[tilespmem:$0x4C0] =	vst v3;
	v3 =	vadd.s32 v48, v5  }
0xf7: {  	v56 =	vshll.u32 v52, $0x9;
	[tilespmem:$0x4D0] =	vst v3;
	v3 =	vadd.s32 v51, v55;
	v4 =	vperm.xlane v4, v2  }
0xf8: {  	[tilespmem:$0x4E0] =	vst v3;
	v3 =	vadd.s32 v53, v56  }
0xf9: {  	[tilespmem:$0x4F0] =	vst v3;
	v3 =	vadd.s32 v1, v4  }
0xfa: {  	[tilespmem:s0], [sflag:$0x1] =	stream.indirect_vreg.gather [hbm4b:s2+s3], $0x80, v11, vm0, $0xb8;
	[tilespmem:$0x18600] =	vst v63  }
0xfb: {  	_ = 	snop  }
0xfc: {  	[tilespmem:s23], [sflag:$0x1] =	stream.indirect_vreg.gather [hbm4b:s5+s3], $0x80, v11, vm0, $0xb8;
	[tilespmem:$0x18600] =	vst v63  }
0xfd: {  	_ = 	snop  }
0xfe: {  	[tilespmem:s24], [sflag:$0x1] =	stream.indirect_vreg.gather [hbm4b:s2+s3], $0x80, v3, vm0, $0xb8;
	[tilespmem:$0x18600] =	vst v63  }
0xff: {  	s22 =	simm.s32 $0x1E00  }
0x100: {  	[tilespmem:s22], [sflag:$0x1] =	stream.indirect_vreg.gather [hbm4b:s5+s3], $0x80, v3, vm0, $0xb8;
	[tilespmem:$0x18600] =	vst v63  }
0x101: {  	v3 =	vld [tilespmem:$0x4D0];
	_ =	sdelay $0x4  }
0x102: {  	v57 =	vshll.u32 v3, $0x2  }
0x103: {  	v3 =	vand.u32 $0x7, v3;
	v4 =	vand.u32 $0xFFFFFFE0, v57  }
0x104: {  	v3 =	vor.u32 v3, v4  }
0x105: {  	v4 =	vperm.xlane v3, v0;
	_ =	sdelay $0x1  }
0x106: {  	v4 =	vadd.s32 v1, v4;
	_ =	sdelay $0x1  }
0x107: {  	v3 =	vperm.xlane v3, v2;
	_ =	sdelay $0x1  }
0x108: {  	s22 =	simm.s32 $0x2600;
	v3 =	vadd.s32 v1, v3  }
0x109: {  	[tilespmem:s22], [sflag:$0x1] =	stream.indirect_vreg.gather [hbm4b:s2+s3], $0x80, v4, vm0, $0xb8;
	[tilespmem:$0x18600] =	vst v63  }
0x10a: {  	s22 =	simm.s32 $0x2E00  }
0x10b: {  	[tilespmem:s22], [sflag:$0x1] =	stream.indirect_vreg.gather [hbm4b:s5+s3], $0x80, v4, vm0, $0xb8;
	[tilespmem:$0x18600] =	vst v63  }
0x10c: {  	s22 =	simm.s32 $0x3600  }
0x10d: {  	[tilespmem:s22], [sflag:$0x1] =	stream.indirect_vreg.gather [hbm4b:s2+s3], $0x80, v3, vm0, $0xb8;
	[tilespmem:$0x18600] =	vst v63  }
0x10e: {  	s22 =	simm.s32 $0x3E00  }
0x10f: {  	[tilespmem:s22], [sflag:$0x1] =	stream.indirect_vreg.gather [hbm4b:s5+s3], $0x80, v3, vm0, $0xb8;
	[tilespmem:$0x18600] =	vst v63  }
0x110: {  	v3 =	vld [tilespmem:$0x4E0];
	_ =	sdelay $0x4  }
0x111: {  	v58 =	vshll.u32 v3, $0x2  }
0x112: {  	v3 =	vand.u32 $0x7, v3;
	v4 =	vand.u32 $0xFFFFFFE0, v58  }
0x113: {  	v3 =	vor.u32 v3, v4  }
0x114: {  	v4 =	vperm.xlane v3, v0;
	_ =	sdelay $0x1  }
0x115: {  	v4 =	vadd.s32 v1, v4;
	_ =	sdelay $0x1  }
0x116: {  	v3 =	vperm.xlane v3, v2;
	_ =	sdelay $0x1  }
0x117: {  	s22 =	simm.s32 $0x4600;
	v3 =	vadd.s32 v1, v3  }
0x118: {  	[tilespmem:s22], [sflag:$0x1] =	stream.indirect_vreg.gather [hbm4b:s2+s3], $0x80, v4, vm0, $0xb8;
	[tilespmem:$0x18600] =	vst v63  }
0x119: {  	s22 =	simm.s32 $0x4E00  }
0x11a: {  	[tilespmem:s22], [sflag:$0x1] =	stream.indirect_vreg.gather [hbm4b:s5+s3], $0x80, v4, vm0, $0xb8;
	[tilespmem:$0x18600] =	vst v63  }
0x11b: {  	s22 =	simm.s32 $0x5600  }
0x11c: {  	[tilespmem:s22], [sflag:$0x1] =	stream.indirect_vreg.gather [hbm4b:s2+s3], $0x80, v3, vm0, $0xb8;
	[tilespmem:$0x18600] =	vst v63  }
0x11d: {  	s22 =	simm.s32 $0x5E00  }
0x11e: {  	[tilespmem:s22], [sflag:$0x1] =	stream.indirect_vreg.gather [hbm4b:s5+s3], $0x80, v3, vm0, $0xb8;
	[tilespmem:$0x18600] =	vst v63  }
0x11f: {  	v3 =	vld [tilespmem:$0x4F0];
	_ =	sdelay $0x4  }
0x120: {  	v59 =	vshll.u32 v3, $0x2  }
0x121: {  	v3 =	vand.u32 $0x7, v3;
	v4 =	vand.u32 $0xFFFFFFE0, v59  }
0x122: {  	v3 =	vor.u32 v3, v4  }
0x123: {  	v4 =	vperm.xlane v3, v0;
	_ =	sdelay $0x1  }
0x124: {  	v4 =	vadd.s32 v1, v4;
	_ =	sdelay $0x1  }
0x125: {  	v3 =	vperm.xlane v3, v2;
	_ =	sdelay $0x1  }
0x126: {  	s22 =	simm.s32 $0x6600;
	v3 =	vadd.s32 v1, v3  }
0x127: {  	[tilespmem:s22], [sflag:$0x1] =	stream.indirect_vreg.gather [hbm4b:s2+s3], $0x80, v4, vm0, $0xb8;
	[tilespmem:$0x18600] =	vst v63  }
0x128: {  	s22 =	simm.s32 $0x6E00  }
0x129: {  	[tilespmem:s22], [sflag:$0x1] =	stream.indirect_vreg.gather [hbm4b:s5+s3], $0x80, v4, vm0, $0xb8;
	[tilespmem:$0x18600] =	vst v63  }
0x12a: {  	s22 =	simm.s32 $0x7600  }
0x12b: {  	[tilespmem:s22], [sflag:$0x1] =	stream.indirect_vreg.gather [hbm4b:s2+s3], $0x80, v3, vm0, $0xb8;
	[tilespmem:$0x18600] =	vst v63  }
0x12c: {  	s22 =	simm.s32 $0x7E00  }
0x12d: {  	[tilespmem:s22], [sflag:$0x1] =	stream.indirect_vreg.gather [hbm4b:s5+s3], $0x80, v3, vm0, $0xb8;
	[tilespmem:$0x18600] =	vst v63  }
0x12e: {  	_ =	swait.ge [sflag:s8], $0x8000  }
0x12f: {  	[sflag:s8] =	ssyncset.done $0x0  }
0x130: {  	s22 =	rddreg [dreg:$0x6];
	[sflag:s8] =	ssyncadd.s32 $0xFFFF8000  }
0x131: {  	[hbm4b:s22+s3] =	stream.linear.scatter [tilespmem:s31], [sflag:$0x5], $0x8000, $0x38;
	[tilespmem:$0x18600] =	vst v63  }
0x132: {  	_ =	swait.ge [sflag:s19], $0x8000  }
0x133: {  	[sflag:s19] =	ssyncset.done $0x0  }
0x134: {  	[sflag:s19] =	ssyncadd.s32 $0xFFFF8000  }
0x135: {  	v3 =	vld [tilespmem:$0x100]  }
0x136: {  	v60 =	vld [tilespmem:$0x300];
	_ =	sdelay $0x3  }
0x137: {  	v61 =	vld [tilespmem:$0x110];
	v3 =	vshll.u32 v3, $0x9  }
0x138: {  	v62 =	vld [tilespmem:$0x310];
	v3 =	vadd.s32 v60, v3  }
0x139: {  	v63 =	vld [tilespmem:$0x120];
	v12 =	vshll.u32 v3, $0x2  }
0x13a: {  	v13 =	vld [tilespmem:$0x320];
	v4 =	vand.u32 $0x7, v60;
	v8 =	vand.u32 $0xFFFFFFE0, v12  }
0x13b: {  	v14 =	vld [tilespmem:$0x130];
	v4 =	vor.u32 v4, v8  }
0x13c: {  	v15 =	vld [tilespmem:$0x330];
	v16 =	vperm.xlane v4, v0;
	_ =	sdelay $0x1  }
0x13d: {  	v5 =	vshll.u32 v61, $0x9;
	v11 =	vadd.s32 v1, v16  }
0x13e: {  	v17 =	vshll.u32 v63, $0x9;
	[tilespmem:$0x500] =	vst v3;
	v3 =	vadd.s32 v62, v5  }
0x13f: {  	v18 =	vshll.u32 v14, $0x9;
	[tilespmem:$0x510] =	vst v3;
	v3 =	vadd.s32 v13, v17;
	v4 =	vperm.xlane v4, v2  }
0x140: {  	[tilespmem:$0x520] =	vst v3;
	v3 =	vadd.s32 v15, v18  }
0x141: {  	[tilespmem:$0x530] =	vst v3;
	v3 =	vadd.s32 v1, v4  }
0x142: {  	[tilespmem:s31], [sflag:$0x2] =	stream.indirect_vreg.gather [hbm4b:s2+s3], $0x80, v11, vm0, $0xb8;
	[tilespmem:$0x18600] =	vst v63  }
0x143: {  	s22 =	simm.s32 $0x8E00  }
0x144: {  	[tilespmem:s22], [sflag:$0x2] =	stream.indirect_vreg.gather [hbm4b:s5+s3], $0x80, v11, vm0, $0xb8;
	[tilespmem:$0x18600] =	vst v63  }
0x145: {  	s22 =	simm.s32 $0x9600  }
0x146: {  	[tilespmem:s22], [sflag:$0x2] =	stream.indirect_vreg.gather [hbm4b:s2+s3], $0x80, v3, vm0, $0xb8;
	[tilespmem:$0x18600] =	vst v63  }
0x147: {  	s22 =	simm.s32 $0x9E00  }
0x148: {  	[tilespmem:s22], [sflag:$0x2] =	stream.indirect_vreg.gather [hbm4b:s5+s3], $0x80, v3, vm0, $0xb8;
	[tilespmem:$0x18600] =	vst v63  }
0x149: {  	v3 =	vld [tilespmem:$0x510];
	_ =	sdelay $0x4  }
0x14a: {  	v19 =	vshll.u32 v3, $0x2  }
0x14b: {  	v3 =	vand.u32 $0x7, v3;
	v4 =	vand.u32 $0xFFFFFFE0, v19  }
0x14c: {  	v3 =	vor.u32 v3, v4  }
0x14d: {  	v4 =	vperm.xlane v3, v0;
	_ =	sdelay $0x1  }
0x14e: {  	v4 =	vadd.s32 v1, v4;
	_ =	sdelay $0x1  }
0x14f: {  	v3 =	vperm.xlane v3, v2;
	_ =	sdelay $0x1  }
0x150: {  	s22 =	simm.s32 $0xA600;
	v3 =	vadd.s32 v1, v3  }
0x151: {  	[tilespmem:s22], [sflag:$0x2] =	stream.indirect_vreg.gather [hbm4b:s2+s3], $0x80, v4, vm0, $0xb8;
	[tilespmem:$0x18600] =	vst v63  }
0x152: {  	s22 =	simm.s32 $0xAE00  }
0x153: {  	[tilespmem:s22], [sflag:$0x2] =	stream.indirect_vreg.gather [hbm4b:s5+s3], $0x80, v4, vm0, $0xb8;
	[tilespmem:$0x18600] =	vst v63  }
0x154: {  	s22 =	simm.s32 $0xB600  }
0x155: {  	[tilespmem:s22], [sflag:$0x2] =	stream.indirect_vreg.gather [hbm4b:s2+s3], $0x80, v3, vm0, $0xb8;
	[tilespmem:$0x18600] =	vst v63  }
0x156: {  	s22 =	simm.s32 $0xBE00  }
0x157: {  	[tilespmem:s22], [sflag:$0x2] =	stream.indirect_vreg.gather [hbm4b:s5+s3], $0x80, v3, vm0, $0xb8;
	[tilespmem:$0x18600] =	vst v63  }
0x158: {  	v3 =	vld [tilespmem:$0x520];
	_ =	sdelay $0x4  }
0x159: {  	v20 =	vshll.u32 v3, $0x2  }
0x15a: {  	v3 =	vand.u32 $0x7, v3;
	v4 =	vand.u32 $0xFFFFFFE0, v20  }
0x15b: {  	v3 =	vor.u32 v3, v4  }
0x15c: {  	v4 =	vperm.xlane v3, v0;
	_ =	sdelay $0x1  }
0x15d: {  	v4 =	vadd.s32 v1, v4;
	_ =	sdelay $0x1  }
0x15e: {  	v3 =	vperm.xlane v3, v2;
	_ =	sdelay $0x1  }
0x15f: {  	s22 =	simm.s32 $0xC600;
	v3 =	vadd.s32 v1, v3  }
0x160: {  	[tilespmem:s22], [sflag:$0x2] =	stream.indirect_vreg.gather [hbm4b:s2+s3], $0x80, v4, vm0, $0xb8;
	[tilespmem:$0x18600] =	vst v63  }
0x161: {  	s22 =	simm.s32 $0xCE00  }
0x162: {  	[tilespmem:s22], [sflag:$0x2] =	stream.indirect_vreg.gather [hbm4b:s5+s3], $0x80, v4, vm0, $0xb8;
	[tilespmem:$0x18600] =	vst v63  }
0x163: {  	s22 =	simm.s32 $0xD600  }
0x164: {  	[tilespmem:s22], [sflag:$0x2] =	stream.indirect_vreg.gather [hbm4b:s2+s3], $0x80, v3, vm0, $0xb8;
	[tilespmem:$0x18600] =	vst v63  }
0x165: {  	s22 =	simm.s32 $0xDE00  }
0x166: {  	[tilespmem:s22], [sflag:$0x2] =	stream.indirect_vreg.gather [hbm4b:s5+s3], $0x80, v3, vm0, $0xb8;
	[tilespmem:$0x18600] =	vst v63  }
0x167: {  	v3 =	vld [tilespmem:$0x530];
	_ =	sdelay $0x4  }
0x168: {  	v21 =	vshll.u32 v3, $0x2  }
0x169: {  	v3 =	vand.u32 $0x7, v3;
	v4 =	vand.u32 $0xFFFFFFE0, v21  }
0x16a: {  	v3 =	vor.u32 v3, v4  }
0x16b: {  	v4 =	vperm.xlane v3, v0;
	_ =	sdelay $0x1  }
0x16c: {  	v4 =	vadd.s32 v1, v4;
	_ =	sdelay $0x1  }
0x16d: {  	v3 =	vperm.xlane v3, v2;
	_ =	sdelay $0x1  }
0x16e: {  	s22 =	simm.s32 $0xE600;
	v3 =	vadd.s32 v1, v3  }
0x16f: {  	[tilespmem:s22], [sflag:$0x2] =	stream.indirect_vreg.gather [hbm4b:s2+s3], $0x80, v4, vm0, $0xb8;
	[tilespmem:$0x18600] =	vst v63  }
0x170: {  	s22 =	simm.s32 $0xEE00  }
0x171: {  	[tilespmem:s22], [sflag:$0x2] =	stream.indirect_vreg.gather [hbm4b:s5+s3], $0x80, v4, vm0, $0xb8;
	[tilespmem:$0x18600] =	vst v63  }
0x172: {  	s22 =	simm.s32 $0xF600  }
0x173: {  	[tilespmem:s22], [sflag:$0x2] =	stream.indirect_vreg.gather [hbm4b:s2+s3], $0x80, v3, vm0, $0xb8;
	[tilespmem:$0x18600] =	vst v63  }
0x174: {  	s22 =	simm.s32 $0xFE00  }
0x175: {  	[tilespmem:s22], [sflag:$0x2] =	stream.indirect_vreg.gather [hbm4b:s5+s3], $0x80, v3, vm0, $0xb8;
	[tilespmem:$0x18600] =	vst v63  }
0x176: {  	_ =	swait.ge [sflag:s20], $0x8000  }
0x177: {  	[sflag:s20] =	ssyncset.done $0x0  }
0x178: {  	s22 =	rddreg [dreg:$0x7];
	[sflag:s20] =	ssyncadd.s32 $0xFFFF8000  }
0x179: {  	[hbm4b:s22+s3] =	stream.linear.scatter [tilespmem:s9], [sflag:$0x6], $0x8000, $0x38;
	[tilespmem:$0x18600] =	vst v63  }
0x17a: {  	_ =	swait.ge [sflag:s21], $0x8000  }
0x17b: {  	[sflag:s21] =	ssyncset.done $0x0  }
0x17c: {  	[sflag:s21] =	ssyncadd.s32 $0xFFFF8000  }
0x17d: {  	v3 =	vld [tilespmem:$0x140]  }
0x17e: {  	v22 =	vld [tilespmem:$0x340];
	_ =	sdelay $0x3  }
0x17f: {  	v23 =	vld [tilespmem:$0x150];
	v3 =	vshll.u32 v3, $0x9  }
0x180: {  	v24 =	vld [tilespmem:$0x350];
	v3 =	vadd.s32 v22, v3  }
0x181: {  	v25 =	vld [tilespmem:$0x160];
	v26 =	vshll.u32 v3, $0x2  }
0x182: {  	v27 =	vld [tilespmem:$0x360];
	v4 =	vand.u32 $0x7, v22;
	v8 =	vand.u32 $0xFFFFFFE0, v26  }
0x183: {  	v28 =	vld [tilespmem:$0x170];
	v4 =	vor.u32 v4, v8  }
0x184: {  	v29 =	vld [tilespmem:$0x370];
	v30 =	vperm.xlane v4, v0;
	_ =	sdelay $0x1  }
0x185: {  	v5 =	vshll.u32 v23, $0x9;
	v11 =	vadd.s32 v1, v30  }
0x186: {  	v31 =	vshll.u32 v25, $0x9;
	[tilespmem:$0x540] =	vst v3;
	v3 =	vadd.s32 v24, v5  }
0x187: {  	v32 =	vshll.u32 v28, $0x9;
	[tilespmem:$0x550] =	vst v3;
	v3 =	vadd.s32 v27, v31;
	v4 =	vperm.xlane v4, v2  }
0x188: {  	[tilespmem:$0x560] =	vst v3;
	v3 =	vadd.s32 v29, v32  }
0x189: {  	[tilespmem:$0x570] =	vst v3;
	v3 =	vadd.s32 v1, v4  }
0x18a: {  	[tilespmem:s9], [sflag:$0x3] =	stream.indirect_vreg.gather [hbm4b:s2+s3], $0x80, v11, vm0, $0xb8;
	[tilespmem:$0x18600] =	vst v63  }
0x18b: {  	_ = 	snop  }
0x18c: {  	[tilespmem:s15], [sflag:$0x3] =	stream.indirect_vreg.gather [hbm4b:s5+s3], $0x80, v11, vm0, $0xb8;
	[tilespmem:$0x18600] =	vst v63  }
0x18d: {  	_ = 	snop  }
0x18e: {  	[tilespmem:s16], [sflag:$0x3] =	stream.indirect_vreg.gather [hbm4b:s2+s3], $0x80, v3, vm0, $0xb8;
	[tilespmem:$0x18600] =	vst v63  }
0x18f: {  	_ = 	snop  }
0x190: {  	[tilespmem:s17], [sflag:$0x3] =	stream.indirect_vreg.gather [hbm4b:s5+s3], $0x80, v3, vm0, $0xb8;
	[tilespmem:$0x18600] =	vst v63  }
0x191: {  	v3 =	vld [tilespmem:$0x550];
	_ =	sdelay $0x4  }
0x192: {  	v33 =	vshll.u32 v3, $0x2  }
0x193: {  	v3 =	vand.u32 $0x7, v3;
	v4 =	vand.u32 $0xFFFFFFE0, v33  }
0x194: {  	v3 =	vor.u32 v3, v4  }
0x195: {  	v4 =	vperm.xlane v3, v0;
	_ =	sdelay $0x1  }
0x196: {  	v4 =	vadd.s32 v1, v4;
	_ =	sdelay $0x1  }
0x197: {  	v3 =	vperm.xlane v3, v2;
	_ =	sdelay $0x1  }
0x198: {  	v3 =	vadd.s32 v1, v3  }
0x199: {  	[tilespmem:s25], [sflag:$0x3] =	stream.indirect_vreg.gather [hbm4b:s2+s3], $0x80, v4, vm0, $0xb8;
	[tilespmem:$0x18600] =	vst v63  }
0x19a: {  	_ = 	snop  }
0x19b: {  	[tilespmem:s1], [sflag:$0x3] =	stream.indirect_vreg.gather [hbm4b:s5+s3], $0x80, v4, vm0, $0xb8;
	[tilespmem:$0x18600] =	vst v63  }
0x19c: {  	_ = 	snop  }
0x19d: {  	[tilespmem:s4], [sflag:$0x3] =	stream.indirect_vreg.gather [hbm4b:s2+s3], $0x80, v3, vm0, $0xb8;
	[tilespmem:$0x18600] =	vst v63  }
0x19e: {  	_ = 	snop  }
0x19f: {  	[tilespmem:s10], [sflag:$0x3] =	stream.indirect_vreg.gather [hbm4b:s5+s3], $0x80, v3, vm0, $0xb8;
	[tilespmem:$0x18600] =	vst v63  }
0x1a0: {  	v3 =	vld [tilespmem:$0x560];
	_ =	sdelay $0x4  }
0x1a1: {  	v34 =	vshll.u32 v3, $0x2  }
0x1a2: {  	v3 =	vand.u32 $0x7, v3;
	v4 =	vand.u32 $0xFFFFFFE0, v34  }
0x1a3: {  	v3 =	vor.u32 v3, v4  }
0x1a4: {  	v4 =	vperm.xlane v3, v0;
	_ =	sdelay $0x1  }
0x1a5: {  	v4 =	vadd.s32 v1, v4;
	_ =	sdelay $0x1  }
0x1a6: {  	v3 =	vperm.xlane v3, v2;
	_ =	sdelay $0x1  }
0x1a7: {  	v3 =	vadd.s32 v1, v3  }
0x1a8: {  	[tilespmem:s11], [sflag:$0x3] =	stream.indirect_vreg.gather [hbm4b:s2+s3], $0x80, v4, vm0, $0xb8;
	[tilespmem:$0x18600] =	vst v63  }
0x1a9: {  	_ = 	snop  }
0x1aa: {  	[tilespmem:s12], [sflag:$0x3] =	stream.indirect_vreg.gather [hbm4b:s5+s3], $0x80, v4, vm0, $0xb8;
	[tilespmem:$0x18600] =	vst v63  }
0x1ab: {  	_ = 	snop  }
0x1ac: {  	[tilespmem:s13], [sflag:$0x3] =	stream.indirect_vreg.gather [hbm4b:s2+s3], $0x80, v3, vm0, $0xb8;
	[tilespmem:$0x18600] =	vst v63  }
0x1ad: {  	_ = 	snop  }
0x1ae: {  	[tilespmem:s14], [sflag:$0x3] =	stream.indirect_vreg.gather [hbm4b:s5+s3], $0x80, v3, vm0, $0xb8;
	[tilespmem:$0x18600] =	vst v63  }
0x1af: {  	v3 =	vld [tilespmem:$0x570];
	_ =	sdelay $0x4  }
0x1b0: {  	v35 =	vshll.u32 v3, $0x2  }
0x1b1: {  	v3 =	vand.u32 $0x7, v3;
	v4 =	vand.u32 $0xFFFFFFE0, v35  }
0x1b2: {  	v3 =	vor.u32 v3, v4  }
0x1b3: {  	v4 =	vperm.xlane v3, v0;
	_ =	sdelay $0x1  }
0x1b4: {  	v4 =	vadd.s32 v1, v4;
	_ =	sdelay $0x1  }
0x1b5: {  	v3 =	vperm.xlane v3, v2;
	_ =	sdelay $0x1  }
0x1b6: {  	v3 =	vadd.s32 v1, v3  }
0x1b7: {  	[tilespmem:s26], [sflag:$0x3] =	stream.indirect_vreg.gather [hbm4b:s2+s3], $0x80, v4, vm0, $0xb8;
	[tilespmem:$0x18600] =	vst v63  }
0x1b8: {  	_ = 	snop  }
0x1b9: {  	[tilespmem:s28], [sflag:$0x3] =	stream.indirect_vreg.gather [hbm4b:s5+s3], $0x80, v4, vm0, $0xb8;
	[tilespmem:$0x18600] =	vst v63  }
0x1ba: {  	_ = 	snop  }
0x1bb: {  	[tilespmem:s29], [sflag:$0x3] =	stream.indirect_vreg.gather [hbm4b:s2+s3], $0x80, v3, vm0, $0xb8;
	[tilespmem:$0x18600] =	vst v63  }
0x1bc: {  	_ = 	snop  }
0x1bd: {  	[tilespmem:s30], [sflag:$0x3] =	stream.indirect_vreg.gather [hbm4b:s5+s3], $0x80, v3, vm0, $0xb8;
	[tilespmem:$0x18600] =	vst v63  }
0x1be: {  	_ =	swait.ge [sflag:s7], $0x8000  }
0x1bf: {  	[sflag:s7] =	ssyncset.done $0x0  }
0x1c0: {  	s1 =	rddreg [dreg:$0x8];
	[sflag:s7] =	ssyncadd.s32 $0xFFFF8000  }
0x1c1: {  	[hbm4b:s1+s3] =	stream.linear.scatter [tilespmem:s0], [sflag:$0x4], $0x8000, $0x38;
	[tilespmem:$0x18600] =	vst v63  }
0x1c2: {  	_ =	swait.ge [sflag:s18], $0x8000  }
0x1c3: {  	[sflag:s18] =	ssyncset.done $0x0  }
0x1c4: {  	[sflag:s18] =	ssyncadd.s32 $0xFFFF8000  }
0x1c5: {  	v3 =	vld [tilespmem:$0x180]  }
0x1c6: {  	v36 =	vld [tilespmem:$0x380];
	_ =	sdelay $0x3  }
0x1c7: {  	v37 =	vld [tilespmem:$0x190];
	v3 =	vshll.u32 v3, $0x9  }
0x1c8: {  	v38 =	vld [tilespmem:$0x390];
	v3 =	vadd.s32 v36, v3  }
0x1c9: {  	v39 =	vld [tilespmem:$0x1A0];
	v40 =	vshll.u32 v3, $0x2  }
0x1ca: {  	v41 =	vld [tilespmem:$0x3A0];
	v4 =	vand.u32 $0x7, v36;
	v8 =	vand.u32 $0xFFFFFFE0, v40  }
0x1cb: {  	v42 =	vld [tilespmem:$0x1B0];
	v4 =	vor.u32 v4, v8  }
0x1cc: {  	v43 =	vld [tilespmem:$0x3B0];
	v44 =	vperm.xlane v4, v0;
	_ =	sdelay $0x1  }
0x1cd: {  	v5 =	vshll.u32 v37, $0x9;
	v11 =	vadd.s32 v1, v44  }
0x1ce: {  	v45 =	vshll.u32 v39, $0x9;
	[tilespmem:$0x580] =	vst v3;
	v3 =	vadd.s32 v38, v5  }
0x1cf: {  	v46 =	vshll.u32 v42, $0x9;
	[tilespmem:$0x590] =	vst v3;
	v3 =	vadd.s32 v41, v45;
	v4 =	vperm.xlane v4, v2  }
0x1d0: {  	[tilespmem:$0x5A0] =	vst v3;
	v3 =	vadd.s32 v43, v46  }
0x1d1: {  	[tilespmem:$0x5B0] =	vst v3;
	v3 =	vadd.s32 v1, v4  }
0x1d2: {  	[tilespmem:s0], [sflag:$0x1] =	stream.indirect_vreg.gather [hbm4b:s2+s3], $0x80, v11, vm0, $0xb8;
	[tilespmem:$0x18600] =	vst v63  }
0x1d3: {  	_ = 	snop  }
0x1d4: {  	[tilespmem:s23], [sflag:$0x1] =	stream.indirect_vreg.gather [hbm4b:s5+s3], $0x80, v11, vm0, $0xb8;
	[tilespmem:$0x18600] =	vst v63  }
0x1d5: {  	_ = 	snop  }
0x1d6: {  	[tilespmem:s24], [sflag:$0x1] =	stream.indirect_vreg.gather [hbm4b:s2+s3], $0x80, v3, vm0, $0xb8;
	[tilespmem:$0x18600] =	vst v63  }
0x1d7: {  	s24 =	simm.s32 $0x1E00  }
0x1d8: {  	[tilespmem:s24], [sflag:$0x1] =	stream.indirect_vreg.gather [hbm4b:s5+s3], $0x80, v3, vm0, $0xb8;
	[tilespmem:$0x18600] =	vst v63  }
0x1d9: {  	v3 =	vld [tilespmem:$0x590];
	_ =	sdelay $0x4  }
0x1da: {  	v47 =	vshll.u32 v3, $0x2  }
0x1db: {  	v3 =	vand.u32 $0x7, v3;
	v4 =	vand.u32 $0xFFFFFFE0, v47  }
0x1dc: {  	v3 =	vor.u32 v3, v4  }
0x1dd: {  	v4 =	vperm.xlane v3, v0;
	_ =	sdelay $0x1  }
0x1de: {  	v4 =	vadd.s32 v1, v4;
	_ =	sdelay $0x1  }
0x1df: {  	v3 =	vperm.xlane v3, v2;
	_ =	sdelay $0x1  }
0x1e0: {  	s22 =	simm.s32 $0x2600;
	v3 =	vadd.s32 v1, v3  }
0x1e1: {  	[tilespmem:s22], [sflag:$0x1] =	stream.indirect_vreg.gather [hbm4b:s2+s3], $0x80, v4, vm0, $0xb8;
	[tilespmem:$0x18600] =	vst v63  }
0x1e2: {  	s23 =	simm.s32 $0x2E00  }
0x1e3: {  	[tilespmem:s23], [sflag:$0x1] =	stream.indirect_vreg.gather [hbm4b:s5+s3], $0x80, v4, vm0, $0xb8;
	[tilespmem:$0x18600] =	vst v63  }
0x1e4: {  	s24 =	simm.s32 $0x3600  }
0x1e5: {  	[tilespmem:s24], [sflag:$0x1] =	stream.indirect_vreg.gather [hbm4b:s2+s3], $0x80, v3, vm0, $0xb8;
	[tilespmem:$0x18600] =	vst v63  }
0x1e6: {  	s22 =	simm.s32 $0x3E00  }
0x1e7: {  	[tilespmem:s22], [sflag:$0x1] =	stream.indirect_vreg.gather [hbm4b:s5+s3], $0x80, v3, vm0, $0xb8;
	[tilespmem:$0x18600] =	vst v63  }
0x1e8: {  	v3 =	vld [tilespmem:$0x5A0];
	_ =	sdelay $0x4  }
0x1e9: {  	v48 =	vshll.u32 v3, $0x2  }
0x1ea: {  	v3 =	vand.u32 $0x7, v3;
	v4 =	vand.u32 $0xFFFFFFE0, v48  }
0x1eb: {  	v3 =	vor.u32 v3, v4  }
0x1ec: {  	v4 =	vperm.xlane v3, v0;
	_ =	sdelay $0x1  }
0x1ed: {  	v4 =	vadd.s32 v1, v4;
	_ =	sdelay $0x1  }
0x1ee: {  	v3 =	vperm.xlane v3, v2;
	_ =	sdelay $0x1  }
0x1ef: {  	s23 =	simm.s32 $0x4600;
	v3 =	vadd.s32 v1, v3  }
0x1f0: {  	[tilespmem:s23], [sflag:$0x1] =	stream.indirect_vreg.gather [hbm4b:s2+s3], $0x80, v4, vm0, $0xb8;
	[tilespmem:$0x18600] =	vst v63  }
0x1f1: {  	s24 =	simm.s32 $0x4E00  }
0x1f2: {  	[tilespmem:s24], [sflag:$0x1] =	stream.indirect_vreg.gather [hbm4b:s5+s3], $0x80, v4, vm0, $0xb8;
	[tilespmem:$0x18600] =	vst v63  }
0x1f3: {  	s22 =	simm.s32 $0x5600  }
0x1f4: {  	[tilespmem:s22], [sflag:$0x1] =	stream.indirect_vreg.gather [hbm4b:s2+s3], $0x80, v3, vm0, $0xb8;
	[tilespmem:$0x18600] =	vst v63  }
0x1f5: {  	s23 =	simm.s32 $0x5E00  }
0x1f6: {  	[tilespmem:s23], [sflag:$0x1] =	stream.indirect_vreg.gather [hbm4b:s5+s3], $0x80, v3, vm0, $0xb8;
	[tilespmem:$0x18600] =	vst v63  }
0x1f7: {  	v3 =	vld [tilespmem:$0x5B0];
	_ =	sdelay $0x4  }
0x1f8: {  	v49 =	vshll.u32 v3, $0x2  }
0x1f9: {  	v3 =	vand.u32 $0x7, v3;
	v4 =	vand.u32 $0xFFFFFFE0, v49  }
0x1fa: {  	v3 =	vor.u32 v3, v4  }
0x1fb: {  	v4 =	vperm.xlane v3, v0;
	_ =	sdelay $0x1  }
0x1fc: {  	v4 =	vadd.s32 v1, v4;
	_ =	sdelay $0x1  }
0x1fd: {  	v3 =	vperm.xlane v3, v2;
	_ =	sdelay $0x1  }
0x1fe: {  	s24 =	simm.s32 $0x6600;
	v3 =	vadd.s32 v1, v3  }
0x1ff: {  	[tilespmem:s24], [sflag:$0x1] =	stream.indirect_vreg.gather [hbm4b:s2+s3], $0x80, v4, vm0, $0xb8;
	[tilespmem:$0x18600] =	vst v63  }
0x200: {  	s22 =	simm.s32 $0x6E00  }
0x201: {  	[tilespmem:s22], [sflag:$0x1] =	stream.indirect_vreg.gather [hbm4b:s5+s3], $0x80, v4, vm0, $0xb8;
	[tilespmem:$0x18600] =	vst v63  }
0x202: {  	s23 =	simm.s32 $0x7600  }
0x203: {  	[tilespmem:s23], [sflag:$0x1] =	stream.indirect_vreg.gather [hbm4b:s2+s3], $0x80, v3, vm0, $0xb8;
	[tilespmem:$0x18600] =	vst v63  }
0x204: {  	s24 =	simm.s32 $0x7E00  }
0x205: {  	[tilespmem:s24], [sflag:$0x1] =	stream.indirect_vreg.gather [hbm4b:s5+s3], $0x80, v3, vm0, $0xb8;
	[tilespmem:$0x18600] =	vst v63  }
0x206: {  	_ =	swait.ge [sflag:s8], $0x8000  }
0x207: {  	[sflag:s8] =	ssyncset.done $0x0  }
0x208: {  	s1 =	rddreg [dreg:$0x9];
	[sflag:s8] =	ssyncadd.s32 $0xFFFF8000  }
0x209: {  	[hbm4b:s1+s3] =	stream.linear.scatter [tilespmem:s31], [sflag:$0x5], $0x8000, $0x38;
	[tilespmem:$0x18600] =	vst v63  }
0x20a: {  	_ =	swait.ge [sflag:s19], $0x8000  }
0x20b: {  	[sflag:s19] =	ssyncset.done $0x0  }
0x20c: {  	[sflag:s19] =	ssyncadd.s32 $0xFFFF8000  }
0x20d: {  	v3 =	vld [tilespmem:$0x1C0]  }
0x20e: {  	v50 =	vld [tilespmem:$0x3C0];
	_ =	sdelay $0x3  }
0x20f: {  	v51 =	vld [tilespmem:$0x1D0];
	v3 =	vshll.u32 v3, $0x9  }
0x210: {  	v52 =	vld [tilespmem:$0x3D0];
	v3 =	vadd.s32 v50, v3  }
0x211: {  	v53 =	vld [tilespmem:$0x1E0];
	v54 =	vshll.u32 v3, $0x2  }
0x212: {  	v55 =	vld [tilespmem:$0x3E0];
	v4 =	vand.u32 $0x7, v50;
	v8 =	vand.u32 $0xFFFFFFE0, v54  }
0x213: {  	v56 =	vld [tilespmem:$0x1F0];
	v4 =	vor.u32 v4, v8  }
0x214: {  	v57 =	vld [tilespmem:$0x3F0];
	v58 =	vperm.xlane v4, v0;
	_ =	sdelay $0x1  }
0x215: {  	v5 =	vshll.u32 v51, $0x9;
	v11 =	vadd.s32 v1, v58  }
0x216: {  	v59 =	vshll.u32 v53, $0x9;
	[tilespmem:$0x5C0] =	vst v3;
	v3 =	vadd.s32 v52, v5  }
0x217: {  	v60 =	vshll.u32 v56, $0x9;
	[tilespmem:$0x5D0] =	vst v3;
	v3 =	vadd.s32 v55, v59;
	v4 =	vperm.xlane v4, v2  }
0x218: {  	[tilespmem:$0x5E0] =	vst v3;
	v3 =	vadd.s32 v57, v60  }
0x219: {  	[tilespmem:$0x5F0] =	vst v3;
	v3 =	vadd.s32 v1, v4  }
0x21a: {  	[tilespmem:s31], [sflag:$0x2] =	stream.indirect_vreg.gather [hbm4b:s2+s3], $0x80, v11, vm0, $0xb8;
	[tilespmem:$0x18600] =	vst v63  }
0x21b: {  	s22 =	simm.s32 $0x8E00  }
0x21c: {  	[tilespmem:s22], [sflag:$0x2] =	stream.indirect_vreg.gather [hbm4b:s5+s3], $0x80, v11, vm0, $0xb8;
	[tilespmem:$0x18600] =	vst v63  }
0x21d: {  	s23 =	simm.s32 $0x9600  }
0x21e: {  	[tilespmem:s23], [sflag:$0x2] =	stream.indirect_vreg.gather [hbm4b:s2+s3], $0x80, v3, vm0, $0xb8;
	[tilespmem:$0x18600] =	vst v63  }
0x21f: {  	s24 =	simm.s32 $0x9E00  }
0x220: {  	[tilespmem:s24], [sflag:$0x2] =	stream.indirect_vreg.gather [hbm4b:s5+s3], $0x80, v3, vm0, $0xb8;
	[tilespmem:$0x18600] =	vst v63  }
0x221: {  	v3 =	vld [tilespmem:$0x5D0];
	_ =	sdelay $0x4  }
0x222: {  	v61 =	vshll.u32 v3, $0x2  }
0x223: {  	v3 =	vand.u32 $0x7, v3;
	v4 =	vand.u32 $0xFFFFFFE0, v61  }
0x224: {  	v3 =	vor.u32 v3, v4  }
0x225: {  	v4 =	vperm.xlane v3, v0;
	_ =	sdelay $0x1  }
0x226: {  	v4 =	vadd.s32 v1, v4;
	_ =	sdelay $0x1  }
0x227: {  	v3 =	vperm.xlane v3, v2;
	_ =	sdelay $0x1  }
0x228: {  	s22 =	simm.s32 $0xA600;
	v3 =	vadd.s32 v1, v3  }
0x229: {  	[tilespmem:s22], [sflag:$0x2] =	stream.indirect_vreg.gather [hbm4b:s2+s3], $0x80, v4, vm0, $0xb8;
	[tilespmem:$0x18600] =	vst v63  }
0x22a: {  	s23 =	simm.s32 $0xAE00  }
0x22b: {  	[tilespmem:s23], [sflag:$0x2] =	stream.indirect_vreg.gather [hbm4b:s5+s3], $0x80, v4, vm0, $0xb8;
	[tilespmem:$0x18600] =	vst v63  }
0x22c: {  	s24 =	simm.s32 $0xB600  }
0x22d: {  	[tilespmem:s24], [sflag:$0x2] =	stream.indirect_vreg.gather [hbm4b:s2+s3], $0x80, v3, vm0, $0xb8;
	[tilespmem:$0x18600] =	vst v63  }
0x22e: {  	s22 =	simm.s32 $0xBE00  }
0x22f: {  	[tilespmem:s22], [sflag:$0x2] =	stream.indirect_vreg.gather [hbm4b:s5+s3], $0x80, v3, vm0, $0xb8;
	[tilespmem:$0x18600] =	vst v63  }
0x230: {  	v3 =	vld [tilespmem:$0x5E0];
	_ =	sdelay $0x4  }
0x231: {  	v62 =	vshll.u32 v3, $0x2  }
0x232: {  	v3 =	vand.u32 $0x7, v3;
	v4 =	vand.u32 $0xFFFFFFE0, v62  }
0x233: {  	v3 =	vor.u32 v3, v4  }
0x234: {  	v4 =	vperm.xlane v3, v0;
	_ =	sdelay $0x1  }
0x235: {  	v4 =	vadd.s32 v1, v4;
	_ =	sdelay $0x1  }
0x236: {  	v3 =	vperm.xlane v3, v2;
	_ =	sdelay $0x1  }
0x237: {  	s23 =	simm.s32 $0xC600;
	v3 =	vadd.s32 v1, v3  }
0x238: {  	[tilespmem:s23], [sflag:$0x2] =	stream.indirect_vreg.gather [hbm4b:s2+s3], $0x80, v4, vm0, $0xb8;
	[tilespmem:$0x18600] =	vst v63  }
0x239: {  	s24 =	simm.s32 $0xCE00  }
0x23a: {  	[tilespmem:s24], [sflag:$0x2] =	stream.indirect_vreg.gather [hbm4b:s5+s3], $0x80, v4, vm0, $0xb8;
	[tilespmem:$0x18600] =	vst v63  }
0x23b: {  	s22 =	simm.s32 $0xD600  }
0x23c: {  	[tilespmem:s22], [sflag:$0x2] =	stream.indirect_vreg.gather [hbm4b:s2+s3], $0x80, v3, vm0, $0xb8;
	[tilespmem:$0x18600] =	vst v63  }
0x23d: {  	s23 =	simm.s32 $0xDE00  }
0x23e: {  	[tilespmem:s23], [sflag:$0x2] =	stream.indirect_vreg.gather [hbm4b:s5+s3], $0x80, v3, vm0, $0xb8;
	[tilespmem:$0x18600] =	vst v63  }
0x23f: {  	v3 =	vld [tilespmem:$0x5F0];
	_ =	sdelay $0x4  }
0x240: {  	v63 =	vshll.u32 v3, $0x2  }
0x241: {  	v3 =	vand.u32 $0x7, v3;
	v4 =	vand.u32 $0xFFFFFFE0, v63  }
0x242: {  	v3 =	vor.u32 v3, v4  }
0x243: {  	v4 =	vperm.xlane v3, v0;
	_ =	sdelay $0x1  }
0x244: {  	v4 =	vadd.s32 v1, v4;
	_ =	sdelay $0x1  }
0x245: {  	v3 =	vperm.xlane v3, v2;
	_ =	sdelay $0x1  }
0x246: {  	s24 =	simm.s32 $0xE600;
	v3 =	vadd.s32 v1, v3  }
0x247: {  	[tilespmem:s24], [sflag:$0x2] =	stream.indirect_vreg.gather [hbm4b:s2+s3], $0x80, v4, vm0, $0xb8;
	[tilespmem:$0x18600] =	vst v63  }
0x248: {  	s22 =	simm.s32 $0xEE00  }
0x249: {  	[tilespmem:s22], [sflag:$0x2] =	stream.indirect_vreg.gather [hbm4b:s5+s3], $0x80, v4, vm0, $0xb8;
	[tilespmem:$0x18600] =	vst v63  }
0x24a: {  	s23 =	simm.s32 $0xF600  }
0x24b: {  	[tilespmem:s23], [sflag:$0x2] =	stream.indirect_vreg.gather [hbm4b:s2+s3], $0x80, v3, vm0, $0xb8;
	[tilespmem:$0x18600] =	vst v63  }
0x24c: {  	s24 =	simm.s32 $0xFE00  }
0x24d: {  	[tilespmem:s24], [sflag:$0x2] =	stream.indirect_vreg.gather [hbm4b:s5+s3], $0x80, v3, vm0, $0xb8;
	[tilespmem:$0x18600] =	vst v63  }
0x24e: {  	_ =	swait.ge [sflag:s20], $0x8000  }
0x24f: {  	[sflag:s20] =	ssyncset.done $0x0  }
0x250: {  	s1 =	rddreg [dreg:$0xa];
	[sflag:s20] =	ssyncadd.s32 $0xFFFF8000  }
0x251: {  	[hbm4b:s1+s3] =	stream.linear.scatter [tilespmem:s9], [sflag:$0x6], $0x8000, $0x38;
	[tilespmem:$0x18600] =	vst v63  }
0x252: {  	_ =	swait.ge [sflag:s7], $0x8000  }
0x253: {  	[sflag:s7] =	ssyncset.done $0x0  }
0x254: {  	s23 =	rddreg [dreg:$0xb];
	[sflag:s7] =	ssyncadd.s32 $0xFFFF8000  }
0x255: {  	[hbm4b:s23+s3] =	stream.linear.scatter [tilespmem:s0], [sflag:$0x4], $0x8000, $0x38;
	[tilespmem:$0x18600] =	vst v63  }
0x256: {  	_ =	swait.ge [sflag:s8], $0x8000  }
0x257: {  	[sflag:s8] =	ssyncset.done $0x0  }
0x258: {  	s24 =	rddreg [dreg:$0xc];
	[sflag:s8] =	ssyncadd.s32 $0xFFFF8000  }
0x259: {  	[hbm4b:s24+s3] =	stream.linear.scatter [tilespmem:s31], [sflag:$0x5], $0x8000, $0x38;
	[tilespmem:$0x18600] =	vst v63  }
0x25a: {  	_ =	swait.ge [sflag:s18], $0x8000  }
0x25b: {  	[sflag:s18] =	ssyncset.done $0x0  }
0x25c: {  	[sflag:s18] =	ssyncadd.s32 $0xFFFF8000  }
0x25d: {  	p0 =	sne.s32 s6, $0x1;
	_ =	swait.ge [sflag:s19], $0x8000  }
.Ltmp0:
0x25e: {  	[sflag:s19] =	ssyncset.done $0x0;
	(pc) =	sbr.rel @p0 .LBB2_1-.Ltmp0, $4  }
0x25f: {  	[sflag:s19] =	ssyncadd.s32 $0xFFFF8000  }
0x260: {  	_ =	swait.ge [sflag:s21], $0x8000  }
0x261: {  	[sflag:s21] =	ssyncset.done $0x0  }
0x262: {  	s6 =	sadd.s32 $0xFFFFFFFF, s6;
	[sflag:s21] =	ssyncadd.s32 $0xFFFF8000  }
0x263: {  	_ =	sfence.sel $0x180000  }
0x264: {  	[bflag:$0x0] =	sbarrier.arrive $0xFFFF  }
0x265: {  	_ =	strace $0x90000047  }
0x266: {  	s0 =	stileid.u32;
	[bflag:$0x2] =	sbarrier.arrive $0xFFFF  }
0x267: {  	p0 =	sne.s32 s0, $0x0;
	s0 =	rddreg [dreg:$0x3]  }
0x268: {  	s0 =	sadd.s32 @!p0 $0x100000, s0  }
0x269: {  	[sflag:s0] =	ssyncadd.tile.s32 @!p0 $0x1;
	_ =	shalt  }
.Lfunc_end2:
_tile_overlayer_lowered:
.L_overlay_start_2:
0x26a: {  	(tag) =	ssettag $0x2  }
0x26b: {  	s0 =	rddreg [dreg:$0x0];
	s2 =	stileid.u32  }
0x26c: {  	s1 =	rddreg [dreg:$0x1];
	p0 =	sne.s32 s2, $0x0  }
0x26d: {  	s3 =	rddreg [dreg:$0x2];
	[bflag:$0x3] =	sbarrier.arrive $0xFFFF;
	s2 =	simm.s32 @!p0 $0x1C07  }
0x26e: {  	[timem:s3], [sflag:s2] =	dma.local @!p0 [hbm:s0], s1  }
0x26f: {  	s0 =	simm.s32 @!p0 $0x7  }
0x270: {  	_ =	swait.ge @!p0 [sflag:s0], s1  }
0x271: {  	s1 =	ssub.s32 @!p0 $0x0, s1;
	[sflag:s0] =	ssyncset.done @!p0 $0x0  }
0x272: {  	[sflag:s0] =	ssyncadd.s32 @!p0 s1  }
0x273: {  	[bflag:$0x3] =	sbarrier.arrive $0xFFFF  }
0x274: {  	_ =	shalt  }

</sc_bundles>
